<compile_context>
chip_gen: v7x
topology: tpu7x:2x2x1
jax: 0.10.2.dev20260603
libtpu: 0.0.44.dev20260713+nightly
codegen_flags: <defaults>
</compile_context>

<pallas_src>
import functools

import jax
import jax.numpy as jnp
from jax import lax
from jax.experimental import pallas as pl
from jax.experimental.pallas import tpu as pltpu
from jax.experimental.pallas import tpu_sc as plsc

B = 10000
D = 128
O = 128
R = 8
NEIGH = 8

B1 = 8800
B2 = B - B1

S = B * R
NW = 32
CH = 80
K0 = (B1 * R) // CH
NCHUNKS = S // CH
SC_CHUNKS = NCHUNKS - K0
ITERS_PER_W = -(-SC_CHUNKS // NW)

BM1 = 200


def _sc_body(x_hbm, out_hbm, buf, accv):
    wid = lax.axis_index("s") * 2 + lax.axis_index("c")

    def chunk_body(t, carry):
        k = K0 + t * NW + wid

        @pl.when(k < NCHUNKS)
        def _do():
            seg0 = k * CH
            pltpu.sync_copy(x_hbm.at[pl.ds(seg0, CH)], buf)

            def seg_body(i, carry2):
                for db in range(D // 16):
                    s = buf[i, pl.ds(db * 16, 16)]
                    for n in range(1, NEIGH):
                        s = s + buf[i, pl.ds(n * D + db * 16, 16)]
                    accv[i, pl.ds(db * 16, 16)] = s
                return carry2

            lax.fori_loop(0, CH, seg_body, 0)
            pltpu.sync_copy(accv, out_hbm.at[pl.ds(seg0, CH)])

        return carry

    lax.fori_loop(0, ITERS_PER_W, chunk_body, 0)


_sc_sums = functools.partial(
    pl.kernel,
    out_type=jax.ShapeDtypeStruct((S, D), jnp.float32),
    mesh=plsc.VectorSubcoreMesh(core_axis_name="c", subcore_axis_name="s"),
    scratch_types=[
        pltpu.VMEM((CH, NEIGH * D), jnp.float32),
        pltpu.VMEM((CH, D), jnp.float32),
    ],
)(_sc_body)


def _fold_into(wc_ref, rw_ref, sw_ref, w_ref):
    for r in range(R):
        wc_ref[r] = jnp.dot(
            rw_ref[r], w_ref[r * O:(r + 1) * O, :],
            preferred_element_type=jnp.float32) * (1.0 / NEIGH)
    wc_ref[R] = jnp.dot(
        sw_ref[...], w_ref[R * O:(R + 1) * O, :],
        preferred_element_type=jnp.float32)


def _tc_raw_block(node_ref, x_ref, rw_ref, sw_ref, w_ref, out_ref, wc_ref):
    @pl.when(pl.program_id(0) == 0)
    def _fold():
        _fold_into(wc_ref, rw_ref, sw_ref, w_ref)

    acc = jnp.dot(node_ref[...], wc_ref[R], preferred_element_type=jnp.float32)
    for r in range(R):
        base = r * NEIGH * D
        s = x_ref[:, base:base + D]
        for n in range(1, NEIGH):
            s = s + x_ref[:, base + n * D:base + (n + 1) * D]
        acc = acc + jnp.dot(s, wc_ref[r], preferred_element_type=jnp.float32)
    out_ref[...] = jnp.maximum(acc, 0.0)


def _tc_sums_block(node_ref, s_ref, rw_ref, sw_ref, w_ref, out_ref, wc_ref):
    @pl.when(pl.program_id(0) == 0)
    def _fold():
        _fold_into(wc_ref, rw_ref, sw_ref, w_ref)

    acc = jnp.dot(node_ref[...], wc_ref[R], preferred_element_type=jnp.float32)
    for r in range(R):
        acc = acc + jnp.dot(s_ref[:, r * D:(r + 1) * D], wc_ref[r],
                            preferred_element_type=jnp.float32)
    out_ref[...] = jnp.maximum(acc, 0.0)


def kernel(node_feat, relation_feat, relation_weights, self_weights, weight):
    x2 = relation_feat.reshape(S, NEIGH * D)
    sums = _sc_sums(x2)

    out1 = pl.pallas_call(
        _tc_raw_block,
        grid=(B1 // BM1,),
        in_specs=[
            pl.BlockSpec((BM1, D), lambda i: (i, 0)),
            pl.BlockSpec((BM1, R * NEIGH * D), lambda i: (i, 0)),
            pl.BlockSpec((R, D, O), lambda i: (0, 0, 0)),
            pl.BlockSpec((D, O), lambda i: (0, 0)),
            pl.BlockSpec(((R + 1) * O, O), lambda i: (0, 0)),
        ],
        out_specs=pl.BlockSpec((BM1, O), lambda i: (i, 0)),
        out_shape=jax.ShapeDtypeStruct((B1, O), jnp.float32),
        scratch_shapes=[pltpu.VMEM((R + 1, D, O), jnp.float32)],
        compiler_params=pltpu.CompilerParams(
            dimension_semantics=("arbitrary",)),
    )(node_feat, relation_feat, relation_weights, self_weights, weight)

    sums2 = sums[B1 * R:].reshape(B2, R * D)
    node2 = node_feat[B1:]
    out2 = pl.pallas_call(
        _tc_sums_block,
        grid=(1,),
        in_specs=[
            pl.BlockSpec((B2, D), lambda i: (i, 0)),
            pl.BlockSpec((B2, R * D), lambda i: (i, 0)),
            pl.BlockSpec((R, D, O), lambda i: (0, 0, 0)),
            pl.BlockSpec((D, O), lambda i: (0, 0)),
            pl.BlockSpec(((R + 1) * O, O), lambda i: (0, 0)),
        ],
        out_specs=pl.BlockSpec((B2, O), lambda i: (i, 0)),
        out_shape=jax.ShapeDtypeStruct((B2, O), jnp.float32),
        scratch_shapes=[pltpu.VMEM((R + 1, D, O), jnp.float32)],
        compiler_params=pltpu.CompilerParams(
            dimension_semantics=("arbitrary",)),
    )(node2, sums2, relation_weights, self_weights, weight)

    return jnp.concatenate([out1, out2], axis=0)

# --- scband reference (transcript-rebuilt; emitter-appended) ---
"""Pipeline reference for scband-rgcn-aggregator-39041252720665 (READ-ONLY COPY).

The authoritative reference and input builder live on the scoring server;
editing this copy changes nothing except your own understanding.
"""

import jax, jax.numpy as jnp
import numpy as np

B = 10000   # number of target nodes (batch)
D = 128     # input_dim
O = 128     # units (output_dim)
R = 8       # mp_num (number of relations)
NEIGH = 8   # neighbors per relation


def _glorot(key, shape):
    fan_in, fan_out = shape[-2], shape[-1]
    lim = np.sqrt(6.0 / (fan_in + fan_out))
    return jax.random.uniform(key, shape, minval=-lim, maxval=lim, dtype=jnp.float32)


def setup_inputs(seed: int = 0) -> dict:
    key = jax.random.key(seed)
    k1, k2, k3, k4, k5 = jax.random.split(key, 5)
    node_feat = jax.random.normal(k1, (B, D), dtype=jnp.float32)
    relation_feat = jax.random.normal(k2, (B, R * NEIGH * D), dtype=jnp.float32)
    relation_weights = _glorot(k3, (R, D, O))          # stacked per-relation weights
    self_weights = _glorot(k4, (D, O))
    weight = _glorot(k5, ((R + 1) * O, O))             # concat projection
    return {
        "node_feat": node_feat,
        "relation_feat": relation_feat,
        "relation_weights": relation_weights,
        "self_weights": self_weights,
        "weight": weight,
    }


def reference(node_feat, relation_feat, relation_weights, self_weights, weight):
    batch = node_feat.shape[0]
    # reshape to [B, R, neigh, D] and mean over neighbors per relation
    h = relation_feat.reshape(batch, R, -1, D)
    means = jnp.mean(h, axis=2)                                   # [B, R, D]
    # per-relation linear projection: equivalent to looped matmuls in original
    rel_out = jnp.einsum("brd,rdo->bro", means, relation_weights)  # [B, R, O]
    rel_out = rel_out.reshape(batch, R * O)
    # self projection
    node_out = jnp.matmul(node_feat.reshape(-1, D), self_weights)  # [B, O]
    # concat (relation outputs first, then self) and final projection
    relation_emb = jnp.concatenate([rel_out, node_out], axis=-1)   # [B, (R+1)*O]
    output = jnp.matmul(relation_emb, weight)                      # [B, O]
    output = jax.nn.relu(output)
    return output

if __name__ == "__main__":
    import jax
    _d = setup_inputs()
    print(jax.jit(kernel)(*tuple(_d.values())))

</pallas_src>

<mosaic_0001>
#map = affine_map<(d0, d1) -> (0, 0)>
module attributes {stable_mosaic.version = 14 : i64} {
  func.func @_sc_body(%arg0: i32, %arg1: i32, %arg2: memref<80000x1024xf32, #tpu.memory_space<hbm>>, %arg3: memref<80000x128xf32, #tpu.memory_space<hbm>>, %arg4: memref<80x1024xf32, #tpu.memory_space<vmem>>, %arg5: memref<80x128xf32, #tpu.memory_space<vmem>>) attributes {dimension_semantics = [#tpu.dimension_semantics<core_parallel>, #tpu.dimension_semantics<subcore_parallel>], iteration_bounds = array<i64: 2, 16>, scalar_prefetch = 0 : i64, scratch_operands = 2 : i64, tpu.core_type = #tpu.core_type<sc_vector_subcore>, window_params = [{transform_indices = #map}, {transform_indices = #map}]} {
    %mul3A = arith.constant 2 : i32
    %mul3A_0 = arith.muli %arg1, %mul3A : i32
    %add3A = arith.addi %mul3A_0, %arg0 : i32
    %scan3A = arith.constant 0 : i32
    %scan3A_1 = arith.constant 0 : i32
    %scan3A_2 = arith.constant 4 : i32
    %scan3A_3 = arith.addi %scan3A_1, %scan3A_2 : i32
    %scan3A_4 = arith.constant 1 : i32
    scf.for %scan3A_6 = %scan3A_1 to %scan3A_3 step %scan3A_4  : i32 {
      %mul3A_7 = arith.constant 32 : i32
      %mul3A_8 = arith.muli %scan3A_6, %mul3A_7 : i32
      %add3A_9 = arith.constant 880 : i32
      %add3A_10 = arith.addi %add3A_9, %mul3A_8 : i32
      %add3A_11 = arith.addi %add3A_10, %add3A : i32
      %lt3A = arith.constant 1000 : i32
      %lt3A_12 = arith.cmpi slt, %add3A_11, %lt3A : i32
      %convert_element_type3A = arith.extui %lt3A_12 : i1 to i32
      %cond3A = arith.constant 0 : i32
      %cond3A_13 = arith.cmpi ne, %convert_element_type3A, %cond3A : i32
      scf.if %cond3A_13 {
        %mul3A_14 = arith.constant 80 : i32
        %mul3A_15 = arith.muli %add3A_11, %mul3A_14 : i32
        "tpu.region"() ({
          %run_scoped3A = tpu.sem_alloc : memref<!tpu.dma_semaphore, #tpu.memory_space<semaphore_mem>>
          %dma_start3A = arith.constant 0 : i32
          %dma_start3A_22 = tpu.memref_slice %arg2[%mul3A_15, %dma_start3A] : memref<80000x1024xf32, #tpu.memory_space<hbm>> -> memref<80x1024xf32, #tpu.memory_space<hbm>>
          %dma_start3A_23 = arith.constant 0 : i32
          %dma_start3A_24 = tpu.memref_slice %arg2[%mul3A_15, %dma_start3A_23] : memref<80000x1024xf32, #tpu.memory_space<hbm>> -> memref<80x1024xf32, #tpu.memory_space<hbm>>
          tpu.enqueue_dma source(%dma_start3A_24 : memref<80x1024xf32, #tpu.memory_space<hbm>>) target(%arg4 : memref<80x1024xf32, #tpu.memory_space<vmem>>) target_semaphore(%run_scoped3A : memref<!tpu.dma_semaphore, #tpu.memory_space<semaphore_mem>>)
          %dma_wait3A = arith.constant 0 : i32
          %dma_wait3A_25 = tpu.memref_slice %arg2[%mul3A_15, %dma_wait3A] : memref<80000x1024xf32, #tpu.memory_space<hbm>> -> memref<80x1024xf32, #tpu.memory_space<hbm>>
          %dma_wait3A_26 = arith.constant 0 : i32
          %dma_wait3A_27 = tpu.memref_slice %arg2[%mul3A_15, %dma_wait3A_26] : memref<80000x1024xf32, #tpu.memory_space<hbm>> -> memref<80x1024xf32, #tpu.memory_space<hbm>>
          tpu.wait_dma2 semaphore(%run_scoped3A : memref<!tpu.dma_semaphore, #tpu.memory_space<semaphore_mem>>) src(%dma_wait3A_27 : memref<80x1024xf32, #tpu.memory_space<hbm>>) dst(%arg4 : memref<80x1024xf32, #tpu.memory_space<vmem>>)
          tpu.yield
        }) : () -> ()
        %scan3A_16 = arith.constant 0 : i32
        %scan3A_17 = arith.constant 0 : i32
        %scan3A_18 = arith.constant 80 : i32
        %scan3A_19 = arith.addi %scan3A_17, %scan3A_18 : i32
        %scan3A_20 = arith.constant 1 : i32
        scf.for %scan3A_22 = %scan3A_17 to %scan3A_19 step %scan3A_20  : i32 {
          %get3A = arith.index_cast %scan3A_22 : i32 to index
          %get3A_23 = arith.constant 0 : index
          %get3A_24 = tpu.vector_load %arg4[%get3A, %get3A_23] {strides = array<i32>} : memref<80x1024xf32, #tpu.memory_space<vmem>>, vector<1x16xf32>,
          %get3A_25 = vector.shape_cast %get3A_24 : vector<1x16xf32> to vector<16xf32>
          %get3A_26 = arith.index_cast %scan3A_22 : i32 to index
          %get3A_27 = arith.constant 128 : index
          %get3A_28 = tpu.vector_load %arg4[%get3A_26, %get3A_27] {strides = array<i32>} : memref<80x1024xf32, #tpu.memory_space<vmem>>, vector<1x16xf32>,
          %get3A_29 = vector.shape_cast %get3A_28 : vector<1x16xf32> to vector<16xf32>
          %add3A_30 = arith.addf %get3A_25, %get3A_29 : vector<16xf32>
          %get3A_31 = arith.index_cast %scan3A_22 : i32 to index
          %get3A_32 = arith.constant 256 : index
          %get3A_33 = tpu.vector_load %arg4[%get3A_31, %get3A_32] {strides = array<i32>} : memref<80x1024xf32, #tpu.memory_space<vmem>>, vector<1x16xf32>,
          %get3A_34 = vector.shape_cast %get3A_33 : vector<1x16xf32> to vector<16xf32>
          %add3A_35 = arith.addf %add3A_30, %get3A_34 : vector<16xf32>
          %get3A_36 = arith.index_cast %scan3A_22 : i32 to index
          %get3A_37 = arith.constant 384 : index
          %get3A_38 = tpu.vector_load %arg4[%get3A_36, %get3A_37] {strides = array<i32>} : memref<80x1024xf32, #tpu.memory_space<vmem>>, vector<1x16xf32>,
          %get3A_39 = vector.shape_cast %get3A_38 : vector<1x16xf32> to vector<16xf32>
          %add3A_40 = arith.addf %add3A_35, %get3A_39 : vector<16xf32>
          %get3A_41 = arith.index_cast %scan3A_22 : i32 to index
          %get3A_42 = arith.constant 512 : index
          %get3A_43 = tpu.vector_load %arg4[%get3A_41, %get3A_42] {strides = array<i32>} : memref<80x1024xf32, #tpu.memory_space<vmem>>, vector<1x16xf32>,
          %get3A_44 = vector.shape_cast %get3A_43 : vector<1x16xf32> to vector<16xf32>
          %add3A_45 = arith.addf %add3A_40, %get3A_44 : vector<16xf32>
          %get3A_46 = arith.index_cast %scan3A_22 : i32 to index
          %get3A_47 = arith.constant 640 : index
          %get3A_48 = tpu.vector_load %arg4[%get3A_46, %get3A_47] {strides = array<i32>} : memref<80x1024xf32, #tpu.memory_space<vmem>>, vector<1x16xf32>,
          %get3A_49 = vector.shape_cast %get3A_48 : vector<1x16xf32> to vector<16xf32>
          %add3A_50 = arith.addf %add3A_45, %get3A_49 : vector<16xf32>
          %get3A_51 = arith.index_cast %scan3A_22 : i32 to index
          %get3A_52 = arith.constant 768 : index
          %get3A_53 = tpu.vector_load %arg4[%get3A_51, %get3A_52] {strides = array<i32>} : memref<80x1024xf32, #tpu.memory_space<vmem>>, vector<1x16xf32>,
          %get3A_54 = vector.shape_cast %get3A_53 : vector<1x16xf32> to vector<16xf32>
          %add3A_55 = arith.addf %add3A_50, %get3A_54 : vector<16xf32>
          %get3A_56 = arith.index_cast %scan3A_22 : i32 to index
          %get3A_57 = arith.constant 896 : index
          %get3A_58 = tpu.vector_load %arg4[%get3A_56, %get3A_57] {strides = array<i32>} : memref<80x1024xf32, #tpu.memory_space<vmem>>, vector<1x16xf32>,
          %get3A_59 = vector.shape_cast %get3A_58 : vector<1x16xf32> to vector<16xf32>
          %add3A_60 = arith.addf %add3A_55, %get3A_59 : vector<16xf32>
          %swap3A = arith.index_cast %scan3A_22 : i32 to index
          %swap3A_61 = arith.constant 0 : index
          %swap3A_62 = tpu.vector_load %arg5[%swap3A, %swap3A_61] {strides = array<i32>} : memref<80x128xf32, #tpu.memory_space<vmem>>, vector<1x16xf32>,
          %swap3A_63 = vector.shape_cast %swap3A_62 : vector<1x16xf32> to vector<16xf32>
          %swap3A_64 = vector.shape_cast %add3A_60 : vector<16xf32> to vector<1x16xf32>
          tpu.vector_store %arg5[%swap3A, %swap3A_61], %swap3A_64 {strides = array<i32>} : memref<80x128xf32, #tpu.memory_space<vmem>>, vector<1x16xf32>,
          %get3A_65 = arith.index_cast %scan3A_22 : i32 to index
          %get3A_66 = arith.constant 16 : index
          %get3A_67 = tpu.vector_load %arg4[%get3A_65, %get3A_66] {strides = array<i32>} : memref<80x1024xf32, #tpu.memory_space<vmem>>, vector<1x16xf32>,
          %get3A_68 = vector.shape_cast %get3A_67 : vector<1x16xf32> to vector<16xf32>
          %get3A_69 = arith.index_cast %scan3A_22 : i32 to index
          %get3A_70 = arith.constant 144 : index
          %get3A_71 = tpu.vector_load %arg4[%get3A_69, %get3A_70] {strides = array<i32>} : memref<80x1024xf32, #tpu.memory_space<vmem>>, vector<1x16xf32>,
          %get3A_72 = vector.shape_cast %get3A_71 : vector<1x16xf32> to vector<16xf32>
          %add3A_73 = arith.addf %get3A_68, %get3A_72 : vector<16xf32>
          %get3A_74 = arith.index_cast %scan3A_22 : i32 to index
          %get3A_75 = arith.constant 272 : index
          %get3A_76 = tpu.vector_load %arg4[%get3A_74, %get3A_75] {strides = array<i32>} : memref<80x1024xf32, #tpu.memory_space<vmem>>, vector<1x16xf32>,
          %get3A_77 = vector.shape_cast %get3A_76 : vector<1x16xf32> to vector<16xf32>
          %add3A_78 = arith.addf %add3A_73, %get3A_77 : vector<16xf32>
          %get3A_79 = arith.index_cast %scan3A_22 : i32 to index
          %get3A_80 = arith.constant 400 : index
          %get3A_81 = tpu.vector_load %arg4[%get3A_79, %get3A_80] {strides = array<i32>} : memref<80x1024xf32, #tpu.memory_space<vmem>>, vector<1x16xf32>,
          %get3A_82 = vector.shape_cast %get3A_81 : vector<1x16xf32> to vector<16xf32>
          %add3A_83 = arith.addf %add3A_78, %get3A_82 : vector<16xf32>
          %get3A_84 = arith.index_cast %scan3A_22 : i32 to index
          %get3A_85 = arith.constant 528 : index
          %get3A_86 = tpu.vector_load %arg4[%get3A_84, %get3A_85] {strides = array<i32>} : memref<80x1024xf32, #tpu.memory_space<vmem>>, vector<1x16xf32>,
          %get3A_87 = vector.shape_cast %get3A_86 : vector<1x16xf32> to vector<16xf32>
          %add3A_88 = arith.addf %add3A_83, %get3A_87 : vector<16xf32>
          %get3A_89 = arith.index_cast %scan3A_22 : i32 to index
          %get3A_90 = arith.constant 656 : index
          %get3A_91 = tpu.vector_load %arg4[%get3A_89, %get3A_90] {strides = array<i32>} : memref<80x1024xf32, #tpu.memory_space<vmem>>, vector<1x16xf32>,
          %get3A_92 = vector.shape_cast %get3A_91 : vector<1x16xf32> to vector<16xf32>
          %add3A_93 = arith.addf %add3A_88, %get3A_92 : vector<16xf32>
          %get3A_94 = arith.index_cast %scan3A_22 : i32 to index
          %get3A_95 = arith.constant 784 : index
          %get3A_96 = tpu.vector_load %arg4[%get3A_94, %get3A_95] {strides = array<i32>} : memref<80x1024xf32, #tpu.memory_space<vmem>>, vector<1x16xf32>,
          %get3A_97 = vector.shape_cast %get3A_96 : vector<1x16xf32> to vector<16xf32>
          %add3A_98 = arith.addf %add3A_93, %get3A_97 : vector<16xf32>
          %get3A_99 = arith.index_cast %scan3A_22 : i32 to index
          %get3A_100 = arith.constant 912 : index
          %get3A_101 = tpu.vector_load %arg4[%get3A_99, %get3A_100] {strides = array<i32>} : memref<80x1024xf32, #tpu.memory_space<vmem>>, vector<1x16xf32>,
          %get3A_102 = vector.shape_cast %get3A_101 : vector<1x16xf32> to vector<16xf32>
          %add3A_103 = arith.addf %add3A_98, %get3A_102 : vector<16xf32>
          %swap3A_104 = arith.index_cast %scan3A_22 : i32 to index
          %swap3A_105 = arith.constant 16 : index
          %swap3A_106 = tpu.vector_load %arg5[%swap3A_104, %swap3A_105] {strides = array<i32>} : memref<80x128xf32, #tpu.memory_space<vmem>>, vector<1x16xf32>,
          %swap3A_107 = vector.shape_cast %swap3A_106 : vector<1x16xf32> to vector<16xf32>
          %swap3A_108 = vector.shape_cast %add3A_103 : vector<16xf32> to vector<1x16xf32>
          tpu.vector_store %arg5[%swap3A_104, %swap3A_105], %swap3A_108 {strides = array<i32>} : memref<80x128xf32, #tpu.memory_space<vmem>>, vector<1x16xf32>,
          %get3A_109 = arith.index_cast %scan3A_22 : i32 to index
          %get3A_110 = arith.constant 32 : index
          %get3A_111 = tpu.vector_load %arg4[%get3A_109, %get3A_110] {strides = array<i32>} : memref<80x1024xf32, #tpu.memory_space<vmem>>, vector<1x16xf32>,
          %get3A_112 = vector.shape_cast %get3A_111 : vector<1x16xf32> to vector<16xf32>
          %get3A_113 = arith.index_cast %scan3A_22 : i32 to index
          %get3A_114 = arith.constant 160 : index
          %get3A_115 = tpu.vector_load %arg4[%get3A_113, %get3A_114] {strides = array<i32>} : memref<80x1024xf32, #tpu.memory_space<vmem>>, vector<1x16xf32>,
          %get3A_116 = vector.shape_cast %get3A_115 : vector<1x16xf32> to vector<16xf32>
          %add3A_117 = arith.addf %get3A_112, %get3A_116 : vector<16xf32>
          %get3A_118 = arith.index_cast %scan3A_22 : i32 to index
          %get3A_119 = arith.constant 288 : index
          %get3A_120 = tpu.vector_load %arg4[%get3A_118, %get3A_119] {strides = array<i32>} : memref<80x1024xf32, #tpu.memory_space<vmem>>, vector<1x16xf32>,
          %get3A_121 = vector.shape_cast %get3A_120 : vector<1x16xf32> to vector<16xf32>
          %add3A_122 = arith.addf %add3A_117, %get3A_121 : vector<16xf32>
          %get3A_123 = arith.index_cast %scan3A_22 : i32 to index
          %get3A_124 = arith.constant 416 : index
          %get3A_125 = tpu.vector_load %arg4[%get3A_123, %get3A_124] {strides = array<i32>} : memref<80x1024xf32, #tpu.memory_space<vmem>>, vector<1x16xf32>,
          %get3A_126 = vector.shape_cast %get3A_125 : vector<1x16xf32> to vector<16xf32>
          %add3A_127 = arith.addf %add3A_122, %get3A_126 : vector<16xf32>
          %get3A_128 = arith.index_cast %scan3A_22 : i32 to index
          %get3A_129 = arith.constant 544 : index
          %get3A_130 = tpu.vector_load %arg4[%get3A_128, %get3A_129] {strides = array<i32>} : memref<80x1024xf32, #tpu.memory_space<vmem>>, vector<1x16xf32>,
          %get3A_131 = vector.shape_cast %get3A_130 : vector<1x16xf32> to vector<16xf32>
          %add3A_132 = arith.addf %add3A_127, %get3A_131 : vector<16xf32>
          %get3A_133 = arith.index_cast %scan3A_22 : i32 to index
          %get3A_134 = arith.constant 672 : index
          %get3A_135 = tpu.vector_load %arg4[%get3A_133, %get3A_134] {strides = array<i32>} : memref<80x1024xf32, #tpu.memory_space<vmem>>, vector<1x16xf32>,
          %get3A_136 = vector.shape_cast %get3A_135 : vector<1x16xf32> to vector<16xf32>
          %add3A_137 = arith.addf %add3A_132, %get3A_136 : vector<16xf32>
          %get3A_138 = arith.index_cast %scan3A_22 : i32 to index
          %get3A_139 = arith.constant 800 : index
          %get3A_140 = tpu.vector_load %arg4[%get3A_138, %get3A_139] {strides = array<i32>} : memref<80x1024xf32, #tpu.memory_space<vmem>>, vector<1x16xf32>,
          %get3A_141 = vector.shape_cast %get3A_140 : vector<1x16xf32> to vector<16xf32>
          %add3A_142 = arith.addf %add3A_137, %get3A_141 : vector<16xf32>
          %get3A_143 = arith.index_cast %scan3A_22 : i32 to index
          %get3A_144 = arith.constant 928 : index
          %get3A_145 = tpu.vector_load %arg4[%get3A_143, %get3A_144] {strides = array<i32>} : memref<80x1024xf32, #tpu.memory_space<vmem>>, vector<1x16xf32>,
          %get3A_146 = vector.shape_cast %get3A_145 : vector<1x16xf32> to vector<16xf32>
          %add3A_147 = arith.addf %add3A_142, %get3A_146 : vector<16xf32>
          %swap3A_148 = arith.index_cast %scan3A_22 : i32 to index
          %swap3A_149 = arith.constant 32 : index
          %swap3A_150 = tpu.vector_load %arg5[%swap3A_148, %swap3A_149] {strides = array<i32>} : memref<80x128xf32, #tpu.memory_space<vmem>>, vector<1x16xf32>,
          %swap3A_151 = vector.shape_cast %swap3A_150 : vector<1x16xf32> to vector<16xf32>
          %swap3A_152 = vector.shape_cast %add3A_147 : vector<16xf32> to vector<1x16xf32>
          tpu.vector_store %arg5[%swap3A_148, %swap3A_149], %swap3A_152 {strides = array<i32>} : memref<80x128xf32, #tpu.memory_space<vmem>>, vector<1x16xf32>,
          %get3A_153 = arith.index_cast %scan3A_22 : i32 to index
          %get3A_154 = arith.constant 48 : index
          %get3A_155 = tpu.vector_load %arg4[%get3A_153, %get3A_154] {strides = array<i32>} : memref<80x1024xf32, #tpu.memory_space<vmem>>, vector<1x16xf32>,
          %get3A_156 = vector.shape_cast %get3A_155 : vector<1x16xf32> to vector<16xf32>
          %get3A_157 = arith.index_cast %scan3A_22 : i32 to index
          %get3A_158 = arith.constant 176 : index
          %get3A_159 = tpu.vector_load %arg4[%get3A_157, %get3A_158] {strides = array<i32>} : memref<80x1024xf32, #tpu.memory_space<vmem>>, vector<1x16xf32>,
          %get3A_160 = vector.shape_cast %get3A_159 : vector<1x16xf32> to vector<16xf32>
          %add3A_161 = arith.addf %get3A_156, %get3A_160 : vector<16xf32>
          %get3A_162 = arith.index_cast %scan3A_22 : i32 to index
          %get3A_163 = arith.constant 304 : index
          %get3A_164 = tpu.vector_load %arg4[%get3A_162, %get3A_163] {strides = array<i32>} : memref<80x1024xf32, #tpu.memory_space<vmem>>, vector<1x16xf32>,
          %get3A_165 = vector.shape_cast %get3A_164 : vector<1x16xf32> to vector<16xf32>
          %add3A_166 = arith.addf %add3A_161, %get3A_165 : vector<16xf32>
          %get3A_167 = arith.index_cast %scan3A_22 : i32 to index
          %get3A_168 = arith.constant 432 : index
          %get3A_169 = tpu.vector_load %arg4[%get3A_167, %get3A_168] {strides = array<i32>} : memref<80x1024xf32, #tpu.memory_space<vmem>>, vector<1x16xf32>,
          %get3A_170 = vector.shape_cast %get3A_169 : vector<1x16xf32> to vector<16xf32>
          %add3A_171 = arith.addf %add3A_166, %get3A_170 : vector<16xf32>
          %get3A_172 = arith.index_cast %scan3A_22 : i32 to index
          %get3A_173 = arith.constant 560 : index
          %get3A_174 = tpu.vector_load %arg4[%get3A_172, %get3A_173] {strides = array<i32>} : memref<80x1024xf32, #tpu.memory_space<vmem>>, vector<1x16xf32>,
          %get3A_175 = vector.shape_cast %get3A_174 : vector<1x16xf32> to vector<16xf32>
          %add3A_176 = arith.addf %add3A_171, %get3A_175 : vector<16xf32>
          %get3A_177 = arith.index_cast %scan3A_22 : i32 to index
          %get3A_178 = arith.constant 688 : index
          %get3A_179 = tpu.vector_load %arg4[%get3A_177, %get3A_178] {strides = array<i32>} : memref<80x1024xf32, #tpu.memory_space<vmem>>, vector<1x16xf32>,
          %get3A_180 = vector.shape_cast %get3A_179 : vector<1x16xf32> to vector<16xf32>
          %add3A_181 = arith.addf %add3A_176, %get3A_180 : vector<16xf32>
          %get3A_182 = arith.index_cast %scan3A_22 : i32 to index
          %get3A_183 = arith.constant 816 : index
          %get3A_184 = tpu.vector_load %arg4[%get3A_182, %get3A_183] {strides = array<i32>} : memref<80x1024xf32, #tpu.memory_space<vmem>>, vector<1x16xf32>,
          %get3A_185 = vector.shape_cast %get3A_184 : vector<1x16xf32> to vector<16xf32>
          %add3A_186 = arith.addf %add3A_181, %get3A_185 : vector<16xf32>
          %get3A_187 = arith.index_cast %scan3A_22 : i32 to index
          %get3A_188 = arith.constant 944 : index
          %get3A_189 = tpu.vector_load %arg4[%get3A_187, %get3A_188] {strides = array<i32>} : memref<80x1024xf32, #tpu.memory_space<vmem>>, vector<1x16xf32>,
          %get3A_190 = vector.shape_cast %get3A_189 : vector<1x16xf32> to vector<16xf32>
          %add3A_191 = arith.addf %add3A_186, %get3A_190 : vector<16xf32>
          %swap3A_192 = arith.index_cast %scan3A_22 : i32 to index
          %swap3A_193 = arith.constant 48 : index
          %swap3A_194 = tpu.vector_load %arg5[%swap3A_192, %swap3A_193] {strides = array<i32>} : memref<80x128xf32, #tpu.memory_space<vmem>>, vector<1x16xf32>,
          %swap3A_195 = vector.shape_cast %swap3A_194 : vector<1x16xf32> to vector<16xf32>
          %swap3A_196 = vector.shape_cast %add3A_191 : vector<16xf32> to vector<1x16xf32>
          tpu.vector_store %arg5[%swap3A_192, %swap3A_193], %swap3A_196 {strides = array<i32>} : memref<80x128xf32, #tpu.memory_space<vmem>>, vector<1x16xf32>,
          %get3A_197 = arith.index_cast %scan3A_22 : i32 to index
          %get3A_198 = arith.constant 64 : index
          %get3A_199 = tpu.vector_load %arg4[%get3A_197, %get3A_198] {strides = array<i32>} : memref<80x1024xf32, #tpu.memory_space<vmem>>, vector<1x16xf32>,
          %get3A_200 = vector.shape_cast %get3A_199 : vector<1x16xf32> to vector<16xf32>
          %get3A_201 = arith.index_cast %scan3A_22 : i32 to index
          %get3A_202 = arith.constant 192 : index
          %get3A_203 = tpu.vector_load %arg4[%get3A_201, %get3A_202] {strides = array<i32>} : memref<80x1024xf32, #tpu.memory_space<vmem>>, vector<1x16xf32>,
          %get3A_204 = vector.shape_cast %get3A_203 : vector<1x16xf32> to vector<16xf32>
          %add3A_205 = arith.addf %get3A_200, %get3A_204 : vector<16xf32>
          %get3A_206 = arith.index_cast %scan3A_22 : i32 to index
          %get3A_207 = arith.constant 320 : index
          %get3A_208 = tpu.vector_load %arg4[%get3A_206, %get3A_207] {strides = array<i32>} : memref<80x1024xf32, #tpu.memory_space<vmem>>, vector<1x16xf32>,
          %get3A_209 = vector.shape_cast %get3A_208 : vector<1x16xf32> to vector<16xf32>
          %add3A_210 = arith.addf %add3A_205, %get3A_209 : vector<16xf32>
          %get3A_211 = arith.index_cast %scan3A_22 : i32 to index
          %get3A_212 = arith.constant 448 : index
          %get3A_213 = tpu.vector_load %arg4[%get3A_211, %get3A_212] {strides = array<i32>} : memref<80x1024xf32, #tpu.memory_space<vmem>>, vector<1x16xf32>,
          %get3A_214 = vector.shape_cast %get3A_213 : vector<1x16xf32> to vector<16xf32>
          %add3A_215 = arith.addf %add3A_210, %get3A_214 : vector<16xf32>
          %get3A_216 = arith.index_cast %scan3A_22 : i32 to index
          %get3A_217 = arith.constant 576 : index
          %get3A_218 = tpu.vector_load %arg4[%get3A_216, %get3A_217] {strides = array<i32>} : memref<80x1024xf32, #tpu.memory_space<vmem>>, vector<1x16xf32>,
          %get3A_219 = vector.shape_cast %get3A_218 : vector<1x16xf32> to vector<16xf32>
          %add3A_220 = arith.addf %add3A_215, %get3A_219 : vector<16xf32>
          %get3A_221 = arith.index_cast %scan3A_22 : i32 to index
          %get3A_222 = arith.constant 704 : index
          %get3A_223 = tpu.vector_load %arg4[%get3A_221, %get3A_222] {strides = array<i32>} : memref<80x1024xf32, #tpu.memory_space<vmem>>, vector<1x16xf32>,
          %get3A_224 = vector.shape_cast %get3A_223 : vector<1x16xf32> to vector<16xf32>
          %add3A_225 = arith.addf %add3A_220, %get3A_224 : vector<16xf32>
          %get3A_226 = arith.index_cast %scan3A_22 : i32 to index
          %get3A_227 = arith.constant 832 : index
          %get3A_228 = tpu.vector_load %arg4[%get3A_226, %get3A_227] {strides = array<i32>} : memref<80x1024xf32, #tpu.memory_space<vmem>>, vector<1x16xf32>,
          %get3A_229 = vector.shape_cast %get3A_228 : vector<1x16xf32> to vector<16xf32>
          %add3A_230 = arith.addf %add3A_225, %get3A_229 : vector<16xf32>
          %get3A_231 = arith.index_cast %scan3A_22 : i32 to index
          %get3A_232 = arith.constant 960 : index
          %get3A_233 = tpu.vector_load %arg4[%get3A_231, %get3A_232] {strides = array<i32>} : memref<80x1024xf32, #tpu.memory_space<vmem>>, vector<1x16xf32>,
          %get3A_234 = vector.shape_cast %get3A_233 : vector<1x16xf32> to vector<16xf32>
          %add3A_235 = arith.addf %add3A_230, %get3A_234 : vector<16xf32>
          %swap3A_236 = arith.index_cast %scan3A_22 : i32 to index
          %swap3A_237 = arith.constant 64 : index
          %swap3A_238 = tpu.vector_load %arg5[%swap3A_236, %swap3A_237] {strides = array<i32>} : memref<80x128xf32, #tpu.memory_space<vmem>>, vector<1x16xf32>,
          %swap3A_239 = vector.shape_cast %swap3A_238 : vector<1x16xf32> to vector<16xf32>
          %swap3A_240 = vector.shape_cast %add3A_235 : vector<16xf32> to vector<1x16xf32>
          tpu.vector_store %arg5[%swap3A_236, %swap3A_237], %swap3A_240 {strides = array<i32>} : memref<80x128xf32, #tpu.memory_space<vmem>>, vector<1x16xf32>,
          %get3A_241 = arith.index_cast %scan3A_22 : i32 to index
          %get3A_242 = arith.constant 80 : index
          %get3A_243 = tpu.vector_load %arg4[%get3A_241, %get3A_242] {strides = array<i32>} : memref<80x1024xf32, #tpu.memory_space<vmem>>, vector<1x16xf32>,
          %get3A_244 = vector.shape_cast %get3A_243 : vector<1x16xf32> to vector<16xf32>
          %get3A_245 = arith.index_cast %scan3A_22 : i32 to index
          %get3A_246 = arith.constant 208 : index
          %get3A_247 = tpu.vector_load %arg4[%get3A_245, %get3A_246] {strides = array<i32>} : memref<80x1024xf32, #tpu.memory_space<vmem>>, vector<1x16xf32>,
          %get3A_248 = vector.shape_cast %get3A_247 : vector<1x16xf32> to vector<16xf32>
          %add3A_249 = arith.addf %get3A_244, %get3A_248 : vector<16xf32>
          %get3A_250 = arith.index_cast %scan3A_22 : i32 to index
          %get3A_251 = arith.constant 336 : index
          %get3A_252 = tpu.vector_load %arg4[%get3A_250, %get3A_251] {strides = array<i32>} : memref<80x1024xf32, #tpu.memory_space<vmem>>, vector<1x16xf32>,
          %get3A_253 = vector.shape_cast %get3A_252 : vector<1x16xf32> to vector<16xf32>
          %add3A_254 = arith.addf %add3A_249, %get3A_253 : vector<16xf32>
          %get3A_255 = arith.index_cast %scan3A_22 : i32 to index
          %get3A_256 = arith.constant 464 : index
          %get3A_257 = tpu.vector_load %arg4[%get3A_255, %get3A_256] {strides = array<i32>} : memref<80x1024xf32, #tpu.memory_space<vmem>>, vector<1x16xf32>,
          %get3A_258 = vector.shape_cast %get3A_257 : vector<1x16xf32> to vector<16xf32>
          %add3A_259 = arith.addf %add3A_254, %get3A_258 : vector<16xf32>
          %get3A_260 = arith.index_cast %scan3A_22 : i32 to index
          %get3A_261 = arith.constant 592 : index
          %get3A_262 = tpu.vector_load %arg4[%get3A_260, %get3A_261] {strides = array<i32>} : memref<80x1024xf32, #tpu.memory_space<vmem>>, vector<1x16xf32>,
          %get3A_263 = vector.shape_cast %get3A_262 : vector<1x16xf32> to vector<16xf32>
          %add3A_264 = arith.addf %add3A_259, %get3A_263 : vector<16xf32>
          %get3A_265 = arith.index_cast %scan3A_22 : i32 to index
          %get3A_266 = arith.constant 720 : index
          %get3A_267 = tpu.vector_load %arg4[%get3A_265, %get3A_266] {strides = array<i32>} : memref<80x1024xf32, #tpu.memory_space<vmem>>, vector<1x16xf32>,
          %get3A_268 = vector.shape_cast %get3A_267 : vector<1x16xf32> to vector<16xf32>
          %add3A_269 = arith.addf %add3A_264, %get3A_268 : vector<16xf32>
          %get3A_270 = arith.index_cast %scan3A_22 : i32 to index
          %get3A_271 = arith.constant 848 : index
          %get3A_272 = tpu.vector_load %arg4[%get3A_270, %get3A_271] {strides = array<i32>} : memref<80x1024xf32, #tpu.memory_space<vmem>>, vector<1x16xf32>,
          %get3A_273 = vector.shape_cast %get3A_272 : vector<1x16xf32> to vector<16xf32>
          %add3A_274 = arith.addf %add3A_269, %get3A_273 : vector<16xf32>
          %get3A_275 = arith.index_cast %scan3A_22 : i32 to index
          %get3A_276 = arith.constant 976 : index
          %get3A_277 = tpu.vector_load %arg4[%get3A_275, %get3A_276] {strides = array<i32>} : memref<80x1024xf32, #tpu.memory_space<vmem>>, vector<1x16xf32>,
          %get3A_278 = vector.shape_cast %get3A_277 : vector<1x16xf32> to vector<16xf32>
          %add3A_279 = arith.addf %add3A_274, %get3A_278 : vector<16xf32>
          %swap3A_280 = arith.index_cast %scan3A_22 : i32 to index
          %swap3A_281 = arith.constant 80 : index
          %swap3A_282 = tpu.vector_load %arg5[%swap3A_280, %swap3A_281] {strides = array<i32>} : memref<80x128xf32, #tpu.memory_space<vmem>>, vector<1x16xf32>,
          %swap3A_283 = vector.shape_cast %swap3A_282 : vector<1x16xf32> to vector<16xf32>
          %swap3A_284 = vector.shape_cast %add3A_279 : vector<16xf32> to vector<1x16xf32>
          tpu.vector_store %arg5[%swap3A_280, %swap3A_281], %swap3A_284 {strides = array<i32>} : memref<80x128xf32, #tpu.memory_space<vmem>>, vector<1x16xf32>,
          %get3A_285 = arith.index_cast %scan3A_22 : i32 to index
          %get3A_286 = arith.constant 96 : index
          %get3A_287 = tpu.vector_load %arg4[%get3A_285, %get3A_286] {strides = array<i32>} : memref<80x1024xf32, #tpu.memory_space<vmem>>, vector<1x16xf32>,
          %get3A_288 = vector.shape_cast %get3A_287 : vector<1x16xf32> to vector<16xf32>
          %get3A_289 = arith.index_cast %scan3A_22 : i32 to index
          %get3A_290 = arith.constant 224 : index
          %get3A_291 = tpu.vector_load %arg4[%get3A_289, %get3A_290] {strides = array<i32>} : memref<80x1024xf32, #tpu.memory_space<vmem>>, vector<1x16xf32>,
          %get3A_292 = vector.shape_cast %get3A_291 : vector<1x16xf32> to vector<16xf32>
          %add3A_293 = arith.addf %get3A_288, %get3A_292 : vector<16xf32>
          %get3A_294 = arith.index_cast %scan3A_22 : i32 to index
          %get3A_295 = arith.constant 352 : index
          %get3A_296 = tpu.vector_load %arg4[%get3A_294, %get3A_295] {strides = array<i32>} : memref<80x1024xf32, #tpu.memory_space<vmem>>, vector<1x16xf32>,
          %get3A_297 = vector.shape_cast %get3A_296 : vector<1x16xf32> to vector<16xf32>
          %add3A_298 = arith.addf %add3A_293, %get3A_297 : vector<16xf32>
          %get3A_299 = arith.index_cast %scan3A_22 : i32 to index
          %get3A_300 = arith.constant 480 : index
          %get3A_301 = tpu.vector_load %arg4[%get3A_299, %get3A_300] {strides = array<i32>} : memref<80x1024xf32, #tpu.memory_space<vmem>>, vector<1x16xf32>,
          %get3A_302 = vector.shape_cast %get3A_301 : vector<1x16xf32> to vector<16xf32>
          %add3A_303 = arith.addf %add3A_298, %get3A_302 : vector<16xf32>
          %get3A_304 = arith.index_cast %scan3A_22 : i32 to index
          %get3A_305 = arith.constant 608 : index
          %get3A_306 = tpu.vector_load %arg4[%get3A_304, %get3A_305] {strides = array<i32>} : memref<80x1024xf32, #tpu.memory_space<vmem>>, vector<1x16xf32>,
          %get3A_307 = vector.shape_cast %get3A_306 : vector<1x16xf32> to vector<16xf32>
          %add3A_308 = arith.addf %add3A_303, %get3A_307 : vector<16xf32>
          %get3A_309 = arith.index_cast %scan3A_22 : i32 to index
          %get3A_310 = arith.constant 736 : index
          %get3A_311 = tpu.vector_load %arg4[%get3A_309, %get3A_310] {strides = array<i32>} : memref<80x1024xf32, #tpu.memory_space<vmem>>, vector<1x16xf32>,
          %get3A_312 = vector.shape_cast %get3A_311 : vector<1x16xf32> to vector<16xf32>
          %add3A_313 = arith.addf %add3A_308, %get3A_312 : vector<16xf32>
          %get3A_314 = arith.index_cast %scan3A_22 : i32 to index
          %get3A_315 = arith.constant 864 : index
          %get3A_316 = tpu.vector_load %arg4[%get3A_314, %get3A_315] {strides = array<i32>} : memref<80x1024xf32, #tpu.memory_space<vmem>>, vector<1x16xf32>,
          %get3A_317 = vector.shape_cast %get3A_316 : vector<1x16xf32> to vector<16xf32>
          %add3A_318 = arith.addf %add3A_313, %get3A_317 : vector<16xf32>
          %get3A_319 = arith.index_cast %scan3A_22 : i32 to index
          %get3A_320 = arith.constant 992 : index
          %get3A_321 = tpu.vector_load %arg4[%get3A_319, %get3A_320] {strides = array<i32>} : memref<80x1024xf32, #tpu.memory_space<vmem>>, vector<1x16xf32>,
          %get3A_322 = vector.shape_cast %get3A_321 : vector<1x16xf32> to vector<16xf32>
          %add3A_323 = arith.addf %add3A_318, %get3A_322 : vector<16xf32>
          %swap3A_324 = arith.index_cast %scan3A_22 : i32 to index
          %swap3A_325 = arith.constant 96 : index
          %swap3A_326 = tpu.vector_load %arg5[%swap3A_324, %swap3A_325] {strides = array<i32>} : memref<80x128xf32, #tpu.memory_space<vmem>>, vector<1x16xf32>,
          %swap3A_327 = vector.shape_cast %swap3A_326 : vector<1x16xf32> to vector<16xf32>
          %swap3A_328 = vector.shape_cast %add3A_323 : vector<16xf32> to vector<1x16xf32>
          tpu.vector_store %arg5[%swap3A_324, %swap3A_325], %swap3A_328 {strides = array<i32>} : memref<80x128xf32, #tpu.memory_space<vmem>>, vector<1x16xf32>,
          %get3A_329 = arith.index_cast %scan3A_22 : i32 to index
          %get3A_330 = arith.constant 112 : index
          %get3A_331 = tpu.vector_load %arg4[%get3A_329, %get3A_330] {strides = array<i32>} : memref<80x1024xf32, #tpu.memory_space<vmem>>, vector<1x16xf32>,
          %get3A_332 = vector.shape_cast %get3A_331 : vector<1x16xf32> to vector<16xf32>
          %get3A_333 = arith.index_cast %scan3A_22 : i32 to index
          %get3A_334 = arith.constant 240 : index
          %get3A_335 = tpu.vector_load %arg4[%get3A_333, %get3A_334] {strides = array<i32>} : memref<80x1024xf32, #tpu.memory_space<vmem>>, vector<1x16xf32>,
          %get3A_336 = vector.shape_cast %get3A_335 : vector<1x16xf32> to vector<16xf32>
          %add3A_337 = arith.addf %get3A_332, %get3A_336 : vector<16xf32>
          %get3A_338 = arith.index_cast %scan3A_22 : i32 to index
          %get3A_339 = arith.constant 368 : index
          %get3A_340 = tpu.vector_load %arg4[%get3A_338, %get3A_339] {strides = array<i32>} : memref<80x1024xf32, #tpu.memory_space<vmem>>, vector<1x16xf32>,
          %get3A_341 = vector.shape_cast %get3A_340 : vector<1x16xf32> to vector<16xf32>
          %add3A_342 = arith.addf %add3A_337, %get3A_341 : vector<16xf32>
          %get3A_343 = arith.index_cast %scan3A_22 : i32 to index
          %get3A_344 = arith.constant 496 : index
          %get3A_345 = tpu.vector_load %arg4[%get3A_343, %get3A_344] {strides = array<i32>} : memref<80x1024xf32, #tpu.memory_space<vmem>>, vector<1x16xf32>,
          %get3A_346 = vector.shape_cast %get3A_345 : vector<1x16xf32> to vector<16xf32>
          %add3A_347 = arith.addf %add3A_342, %get3A_346 : vector<16xf32>
          %get3A_348 = arith.index_cast %scan3A_22 : i32 to index
          %get3A_349 = arith.constant 624 : index
          %get3A_350 = tpu.vector_load %arg4[%get3A_348, %get3A_349] {strides = array<i32>} : memref<80x1024xf32, #tpu.memory_space<vmem>>, vector<1x16xf32>,
          %get3A_351 = vector.shape_cast %get3A_350 : vector<1x16xf32> to vector<16xf32>
          %add3A_352 = arith.addf %add3A_347, %get3A_351 : vector<16xf32>
          %get3A_353 = arith.index_cast %scan3A_22 : i32 to index
          %get3A_354 = arith.constant 752 : index
          %get3A_355 = tpu.vector_load %arg4[%get3A_353, %get3A_354] {strides = array<i32>} : memref<80x1024xf32, #tpu.memory_space<vmem>>, vector<1x16xf32>,
          %get3A_356 = vector.shape_cast %get3A_355 : vector<1x16xf32> to vector<16xf32>
          %add3A_357 = arith.addf %add3A_352, %get3A_356 : vector<16xf32>
          %get3A_358 = arith.index_cast %scan3A_22 : i32 to index
          %get3A_359 = arith.constant 880 : index
          %get3A_360 = tpu.vector_load %arg4[%get3A_358, %get3A_359] {strides = array<i32>} : memref<80x1024xf32, #tpu.memory_space<vmem>>, vector<1x16xf32>,
          %get3A_361 = vector.shape_cast %get3A_360 : vector<1x16xf32> to vector<16xf32>
          %add3A_362 = arith.addf %add3A_357, %get3A_361 : vector<16xf32>
          %get3A_363 = arith.index_cast %scan3A_22 : i32 to index
          %get3A_364 = arith.constant 1008 : index
          %get3A_365 = tpu.vector_load %arg4[%get3A_363, %get3A_364] {strides = array<i32>} : memref<80x1024xf32, #tpu.memory_space<vmem>>, vector<1x16xf32>,
          %get3A_366 = vector.shape_cast %get3A_365 : vector<1x16xf32> to vector<16xf32>
          %add3A_367 = arith.addf %add3A_362, %get3A_366 : vector<16xf32>
          %swap3A_368 = arith.index_cast %scan3A_22 : i32 to index
          %swap3A_369 = arith.constant 112 : index
          %swap3A_370 = tpu.vector_load %arg5[%swap3A_368, %swap3A_369] {strides = array<i32>} : memref<80x128xf32, #tpu.memory_space<vmem>>, vector<1x16xf32>,
          %swap3A_371 = vector.shape_cast %swap3A_370 : vector<1x16xf32> to vector<16xf32>
          %swap3A_372 = vector.shape_cast %add3A_367 : vector<16xf32> to vector<1x16xf32>
          tpu.vector_store %arg5[%swap3A_368, %swap3A_369], %swap3A_372 {strides = array<i32>} : memref<80x128xf32, #tpu.memory_space<vmem>>, vector<1x16xf32>,
        }
        %scan3A_21 = arith.constant 80 : i32
        "tpu.region"() ({
          %run_scoped3A = tpu.sem_alloc : memref<!tpu.dma_semaphore, #tpu.memory_space<semaphore_mem>>
          %dma_start3A = arith.constant 0 : i32
          %dma_start3A_22 = tpu.memref_slice %arg3[%mul3A_15, %dma_start3A] : memref<80000x128xf32, #tpu.memory_space<hbm>> -> memref<80x128xf32, #tpu.memory_space<hbm>>
          %dma_start3A_23 = arith.constant 0 : i32
          %dma_start3A_24 = tpu.memref_slice %arg3[%mul3A_15, %dma_start3A_23] : memref<80000x128xf32, #tpu.memory_space<hbm>> -> memref<80x128xf32, #tpu.memory_space<hbm>>
          tpu.enqueue_dma source(%arg5 : memref<80x128xf32, #tpu.memory_space<vmem>>) target(%dma_start3A_24 : memref<80x128xf32, #tpu.memory_space<hbm>>) target_semaphore(%run_scoped3A : memref<!tpu.dma_semaphore, #tpu.memory_space<semaphore_mem>>)
          %dma_wait3A = arith.constant 0 : i32
          %dma_wait3A_25 = tpu.memref_slice %arg3[%mul3A_15, %dma_wait3A] : memref<80000x128xf32, #tpu.memory_space<hbm>> -> memref<80x128xf32, #tpu.memory_space<hbm>>
          %dma_wait3A_26 = arith.constant 0 : i32
          %dma_wait3A_27 = tpu.memref_slice %arg3[%mul3A_15, %dma_wait3A_26] : memref<80000x128xf32, #tpu.memory_space<hbm>> -> memref<80x128xf32, #tpu.memory_space<hbm>>
          tpu.wait_dma2 semaphore(%run_scoped3A : memref<!tpu.dma_semaphore, #tpu.memory_space<semaphore_mem>>) src(%arg5 : memref<80x128xf32, #tpu.memory_space<vmem>>) dst(%dma_wait3A_27 : memref<80x128xf32, #tpu.memory_space<hbm>>)
          tpu.yield
        }) : () -> ()
      } else {
      }
    }
    %scan3A_5 = arith.constant 4 : i32
    return
  }
}

module attributes {stable_mosaic.version = 14 : i64} {
  func.func @_tc_raw_block(%arg0: i32, %arg1: memref<200x128xf32, #tpu.memory_space<vmem>>, %arg2: memref<200x8192xf32, #tpu.memory_space<vmem>>, %arg3: memref<8x128x128xf32, #tpu.memory_space<vmem>>, %arg4: memref<128x128xf32, #tpu.memory_space<vmem>>, %arg5: memref<1152x128xf32, #tpu.memory_space<vmem>>, %arg6: memref<200x128xf32, #tpu.memory_space<vmem>>, %arg7: memref<9x128x128xf32, #tpu.memory_space<vmem>>) attributes {dimension_semantics = [#tpu.dimension_semantics<arbitrary>], iteration_bounds = array<i64: 44>, scalar_prefetch = 0 : i64, scratch_operands = 1 : i64, tpu.core_type = #tpu.core_type<tc>, window_params = [{transform_indices = @transform_0, window_bounds = array<i64: 200, 128>}, {transform_indices = @transform_1, window_bounds = array<i64: 200, 8192>}, {pipeline_mode = #tpu.pipeline_mode<synchronous>, transform_indices = @transform_2, window_bounds = array<i64: 8, 128, 128>}, {pipeline_mode = #tpu.pipeline_mode<synchronous>, transform_indices = @transform_3, window_bounds = array<i64: 128, 128>}, {pipeline_mode = #tpu.pipeline_mode<synchronous>, transform_indices = @transform_4, window_bounds = array<i64: 1152, 128>}, {transform_indices = @transform_5, window_bounds = array<i64: 200, 128>}]} {
    %eq3A = arith.constant 0 : i32
    %eq3A_0 = arith.cmpi eq, %arg0, %eq3A : i32
    %convert_element_type3A = arith.extui %eq3A_0 : i1 to i32
    %cond3A = arith.constant 0 : i32
    %cond3A_1 = arith.cmpi ne, %convert_element_type3A, %cond3A : i32
    scf.if %cond3A_1 {
      %get3A_325 = arith.constant 0 : index
      %get3A_326 = arith.constant 0 : index
      %get3A_327 = arith.constant 0 : index
      %get3A_328 = vector.load %arg3[%get3A_325, %get3A_326, %get3A_327] : memref<8x128x128xf32, #tpu.memory_space<vmem>>, vector<1x128x128xf32>
      %get3A_329 = vector.shape_cast %get3A_328 : vector<1x128x128xf32> to vector<128x128xf32>
      %get3A_330 = arith.constant 0 : index
      %get3A_331 = arith.constant 0 : index
      %get3A_332 = vector.load %arg5[%get3A_330, %get3A_331] : memref<1152x128xf32, #tpu.memory_space<vmem>>, vector<128x128xf32>
      %dot_general3A_333 = arith.constant dense<0.000000e+00> : vector<128x128xf32>
      %dot_general3A_334 = tpu.matmul %get3A_329, %get3A_332, %dot_general3A_333 {dimension_numbers = #tpu.dot_dimension_numbers<[1], [0], [0], [1], [0, 0, 1, 1], [], []>, transpose_lhs_hint = false} : vector<128x128xf32>, vector<128x128xf32>, vector<128x128xf32> -> vector<128x128xf32>
      %mul3A = arith.constant 1.250000e-01 : f32
      %mul3A_335 = vector.broadcast %mul3A : f32 to vector<128x128xf32>
      %mul3A_336 = arith.mulf %dot_general3A_334, %mul3A_335 : vector<128x128xf32>
      %swap3A_337 = arith.constant 0 : index
      %swap3A_338 = arith.constant 0 : index
      %swap3A_339 = arith.constant 0 : index
      %swap3A_340 = vector.load %arg7[%swap3A_337, %swap3A_338, %swap3A_339] : memref<9x128x128xf32, #tpu.memory_space<vmem>>, vector<1x128x128xf32>
      %swap3A_341 = vector.shape_cast %swap3A_340 : vector<1x128x128xf32> to vector<128x128xf32>
      %swap3A_342 = vector.shape_cast %mul3A_336 : vector<128x128xf32> to vector<1x128x128xf32>
      tpu.vector_store %arg7[%swap3A_337, %swap3A_338, %swap3A_339], %swap3A_342 {strides = array<i32>} : memref<9x128x128xf32, #tpu.memory_space<vmem>>, vector<1x128x128xf32>,
      %get3A_343 = arith.constant 1 : index
      %get3A_344 = arith.constant 0 : index
      %get3A_345 = arith.constant 0 : index
      %get3A_346 = vector.load %arg3[%get3A_343, %get3A_344, %get3A_345] : memref<8x128x128xf32, #tpu.memory_space<vmem>>, vector<1x128x128xf32>
      %get3A_347 = vector.shape_cast %get3A_346 : vector<1x128x128xf32> to vector<128x128xf32>
      %get3A_348 = arith.constant 128 : index
      %get3A_349 = arith.constant 0 : index
      %get3A_350 = vector.load %arg5[%get3A_348, %get3A_349] : memref<1152x128xf32, #tpu.memory_space<vmem>>, vector<128x128xf32>
      %dot_general3A_351 = arith.constant dense<0.000000e+00> : vector<128x128xf32>
      %dot_general3A_352 = tpu.matmul %get3A_347, %get3A_350, %dot_general3A_351 {dimension_numbers = #tpu.dot_dimension_numbers<[1], [0], [0], [1], [0, 0, 1, 1], [], []>, transpose_lhs_hint = false} : vector<128x128xf32>, vector<128x128xf32>, vector<128x128xf32> -> vector<128x128xf32>
      %mul3A_353 = arith.constant 1.250000e-01 : f32
      %mul3A_354 = vector.broadcast %mul3A_353 : f32 to vector<128x128xf32>
      %mul3A_355 = arith.mulf %dot_general3A_352, %mul3A_354 : vector<128x128xf32>
      %swap3A_356 = arith.constant 1 : index
      %swap3A_357 = arith.constant 0 : index
      %swap3A_358 = arith.constant 0 : index
      %swap3A_359 = vector.load %arg7[%swap3A_356, %swap3A_357, %swap3A_358] : memref<9x128x128xf32, #tpu.memory_space<vmem>>, vector<1x128x128xf32>
      %swap3A_360 = vector.shape_cast %swap3A_359 : vector<1x128x128xf32> to vector<128x128xf32>
      %swap3A_361 = vector.shape_cast %mul3A_355 : vector<128x128xf32> to vector<1x128x128xf32>
      tpu.vector_store %arg7[%swap3A_356, %swap3A_357, %swap3A_358], %swap3A_361 {strides = array<i32>} : memref<9x128x128xf32, #tpu.memory_space<vmem>>, vector<1x128x128xf32>,
      %get3A_362 = arith.constant 2 : index
      %get3A_363 = arith.constant 0 : index
      %get3A_364 = arith.constant 0 : index
      %get3A_365 = vector.load %arg3[%get3A_362, %get3A_363, %get3A_364] : memref<8x128x128xf32, #tpu.memory_space<vmem>>, vector<1x128x128xf32>
      %get3A_366 = vector.shape_cast %get3A_365 : vector<1x128x128xf32> to vector<128x128xf32>
      %get3A_367 = arith.constant 256 : index
      %get3A_368 = arith.constant 0 : index
      %get3A_369 = vector.load %arg5[%get3A_367, %get3A_368] : memref<1152x128xf32, #tpu.memory_space<vmem>>, vector<128x128xf32>
      %dot_general3A_370 = arith.constant dense<0.000000e+00> : vector<128x128xf32>
      %dot_general3A_371 = tpu.matmul %get3A_366, %get3A_369, %dot_general3A_370 {dimension_numbers = #tpu.dot_dimension_numbers<[1], [0], [0], [1], [0, 0, 1, 1], [], []>, transpose_lhs_hint = false} : vector<128x128xf32>, vector<128x128xf32>, vector<128x128xf32> -> vector<128x128xf32>
      %mul3A_372 = arith.constant 1.250000e-01 : f32
      %mul3A_373 = vector.broadcast %mul3A_372 : f32 to vector<128x128xf32>
      %mul3A_374 = arith.mulf %dot_general3A_371, %mul3A_373 : vector<128x128xf32>
      %swap3A_375 = arith.constant 2 : index
      %swap3A_376 = arith.constant 0 : index
      %swap3A_377 = arith.constant 0 : index
      %swap3A_378 = vector.load %arg7[%swap3A_375, %swap3A_376, %swap3A_377] : memref<9x128x128xf32, #tpu.memory_space<vmem>>, vector<1x128x128xf32>
      %swap3A_379 = vector.shape_cast %swap3A_378 : vector<1x128x128xf32> to vector<128x128xf32>
      %swap3A_380 = vector.shape_cast %mul3A_374 : vector<128x128xf32> to vector<1x128x128xf32>
      tpu.vector_store %arg7[%swap3A_375, %swap3A_376, %swap3A_377], %swap3A_380 {strides = array<i32>} : memref<9x128x128xf32, #tpu.memory_space<vmem>>, vector<1x128x128xf32>,
      %get3A_381 = arith.constant 3 : index
      %get3A_382 = arith.constant 0 : index
      %get3A_383 = arith.constant 0 : index
      %get3A_384 = vector.load %arg3[%get3A_381, %get3A_382, %get3A_383] : memref<8x128x128xf32, #tpu.memory_space<vmem>>, vector<1x128x128xf32>
      %get3A_385 = vector.shape_cast %get3A_384 : vector<1x128x128xf32> to vector<128x128xf32>
      %get3A_386 = arith.constant 384 : index
      %get3A_387 = arith.constant 0 : index
      %get3A_388 = vector.load %arg5[%get3A_386, %get3A_387] : memref<1152x128xf32, #tpu.memory_space<vmem>>, vector<128x128xf32>
      %dot_general3A_389 = arith.constant dense<0.000000e+00> : vector<128x128xf32>
      %dot_general3A_390 = tpu.matmul %get3A_385, %get3A_388, %dot_general3A_389 {dimension_numbers = #tpu.dot_dimension_numbers<[1], [0], [0], [1], [0, 0, 1, 1], [], []>, transpose_lhs_hint = false} : vector<128x128xf32>, vector<128x128xf32>, vector<128x128xf32> -> vector<128x128xf32>
      %mul3A_391 = arith.constant 1.250000e-01 : f32
      %mul3A_392 = vector.broadcast %mul3A_391 : f32 to vector<128x128xf32>
      %mul3A_393 = arith.mulf %dot_general3A_390, %mul3A_392 : vector<128x128xf32>
      %swap3A_394 = arith.constant 3 : index
      %swap3A_395 = arith.constant 0 : index
      %swap3A_396 = arith.constant 0 : index
      %swap3A_397 = vector.load %arg7[%swap3A_394, %swap3A_395, %swap3A_396] : memref<9x128x128xf32, #tpu.memory_space<vmem>>, vector<1x128x128xf32>
      %swap3A_398 = vector.shape_cast %swap3A_397 : vector<1x128x128xf32> to vector<128x128xf32>
      %swap3A_399 = vector.shape_cast %mul3A_393 : vector<128x128xf32> to vector<1x128x128xf32>
      tpu.vector_store %arg7[%swap3A_394, %swap3A_395, %swap3A_396], %swap3A_399 {strides = array<i32>} : memref<9x128x128xf32, #tpu.memory_space<vmem>>, vector<1x128x128xf32>,
      %get3A_400 = arith.constant 4 : index
      %get3A_401 = arith.constant 0 : index
      %get3A_402 = arith.constant 0 : index
      %get3A_403 = vector.load %arg3[%get3A_400, %get3A_401, %get3A_402] : memref<8x128x128xf32, #tpu.memory_space<vmem>>, vector<1x128x128xf32>
      %get3A_404 = vector.shape_cast %get3A_403 : vector<1x128x128xf32> to vector<128x128xf32>
      %get3A_405 = arith.constant 512 : index
      %get3A_406 = arith.constant 0 : index
      %get3A_407 = vector.load %arg5[%get3A_405, %get3A_406] : memref<1152x128xf32, #tpu.memory_space<vmem>>, vector<128x128xf32>
      %dot_general3A_408 = arith.constant dense<0.000000e+00> : vector<128x128xf32>
      %dot_general3A_409 = tpu.matmul %get3A_404, %get3A_407, %dot_general3A_408 {dimension_numbers = #tpu.dot_dimension_numbers<[1], [0], [0], [1], [0, 0, 1, 1], [], []>, transpose_lhs_hint = false} : vector<128x128xf32>, vector<128x128xf32>, vector<128x128xf32> -> vector<128x128xf32>
      %mul3A_410 = arith.constant 1.250000e-01 : f32
      %mul3A_411 = vector.broadcast %mul3A_410 : f32 to vector<128x128xf32>
      %mul3A_412 = arith.mulf %dot_general3A_409, %mul3A_411 : vector<128x128xf32>
      %swap3A_413 = arith.constant 4 : index
      %swap3A_414 = arith.constant 0 : index
      %swap3A_415 = arith.constant 0 : index
      %swap3A_416 = vector.load %arg7[%swap3A_413, %swap3A_414, %swap3A_415] : memref<9x128x128xf32, #tpu.memory_space<vmem>>, vector<1x128x128xf32>
      %swap3A_417 = vector.shape_cast %swap3A_416 : vector<1x128x128xf32> to vector<128x128xf32>
      %swap3A_418 = vector.shape_cast %mul3A_412 : vector<128x128xf32> to vector<1x128x128xf32>
      tpu.vector_store %arg7[%swap3A_413, %swap3A_414, %swap3A_415], %swap3A_418 {strides = array<i32>} : memref<9x128x128xf32, #tpu.memory_space<vmem>>, vector<1x128x128xf32>,
      %get3A_419 = arith.constant 5 : index
      %get3A_420 = arith.constant 0 : index
      %get3A_421 = arith.constant 0 : index
      %get3A_422 = vector.load %arg3[%get3A_419, %get3A_420, %get3A_421] : memref<8x128x128xf32, #tpu.memory_space<vmem>>, vector<1x128x128xf32>
      %get3A_423 = vector.shape_cast %get3A_422 : vector<1x128x128xf32> to vector<128x128xf32>
      %get3A_424 = arith.constant 640 : index
      %get3A_425 = arith.constant 0 : index
      %get3A_426 = vector.load %arg5[%get3A_424, %get3A_425] : memref<1152x128xf32, #tpu.memory_space<vmem>>, vector<128x128xf32>
      %dot_general3A_427 = arith.constant dense<0.000000e+00> : vector<128x128xf32>
      %dot_general3A_428 = tpu.matmul %get3A_423, %get3A_426, %dot_general3A_427 {dimension_numbers = #tpu.dot_dimension_numbers<[1], [0], [0], [1], [0, 0, 1, 1], [], []>, transpose_lhs_hint = false} : vector<128x128xf32>, vector<128x128xf32>, vector<128x128xf32> -> vector<128x128xf32>
      %mul3A_429 = arith.constant 1.250000e-01 : f32
      %mul3A_430 = vector.broadcast %mul3A_429 : f32 to vector<128x128xf32>
      %mul3A_431 = arith.mulf %dot_general3A_428, %mul3A_430 : vector<128x128xf32>
      %swap3A_432 = arith.constant 5 : index
      %swap3A_433 = arith.constant 0 : index
      %swap3A_434 = arith.constant 0 : index
      %swap3A_435 = vector.load %arg7[%swap3A_432, %swap3A_433, %swap3A_434] : memref<9x128x128xf32, #tpu.memory_space<vmem>>, vector<1x128x128xf32>
      %swap3A_436 = vector.shape_cast %swap3A_435 : vector<1x128x128xf32> to vector<128x128xf32>
      %swap3A_437 = vector.shape_cast %mul3A_431 : vector<128x128xf32> to vector<1x128x128xf32>
      tpu.vector_store %arg7[%swap3A_432, %swap3A_433, %swap3A_434], %swap3A_437 {strides = array<i32>} : memref<9x128x128xf32, #tpu.memory_space<vmem>>, vector<1x128x128xf32>,
      %get3A_438 = arith.constant 6 : index
      %get3A_439 = arith.constant 0 : index
      %get3A_440 = arith.constant 0 : index
      %get3A_441 = vector.load %arg3[%get3A_438, %get3A_439, %get3A_440] : memref<8x128x128xf32, #tpu.memory_space<vmem>>, vector<1x128x128xf32>
      %get3A_442 = vector.shape_cast %get3A_441 : vector<1x128x128xf32> to vector<128x128xf32>
      %get3A_443 = arith.constant 768 : index
      %get3A_444 = arith.constant 0 : index
      %get3A_445 = vector.load %arg5[%get3A_443, %get3A_444] : memref<1152x128xf32, #tpu.memory_space<vmem>>, vector<128x128xf32>
      %dot_general3A_446 = arith.constant dense<0.000000e+00> : vector<128x128xf32>
      %dot_general3A_447 = tpu.matmul %get3A_442, %get3A_445, %dot_general3A_446 {dimension_numbers = #tpu.dot_dimension_numbers<[1], [0], [0], [1], [0, 0, 1, 1], [], []>, transpose_lhs_hint = false} : vector<128x128xf32>, vector<128x128xf32>, vector<128x128xf32> -> vector<128x128xf32>
      %mul3A_448 = arith.constant 1.250000e-01 : f32
      %mul3A_449 = vector.broadcast %mul3A_448 : f32 to vector<128x128xf32>
      %mul3A_450 = arith.mulf %dot_general3A_447, %mul3A_449 : vector<128x128xf32>
      %swap3A_451 = arith.constant 6 : index
      %swap3A_452 = arith.constant 0 : index
      %swap3A_453 = arith.constant 0 : index
      %swap3A_454 = vector.load %arg7[%swap3A_451, %swap3A_452, %swap3A_453] : memref<9x128x128xf32, #tpu.memory_space<vmem>>, vector<1x128x128xf32>
      %swap3A_455 = vector.shape_cast %swap3A_454 : vector<1x128x128xf32> to vector<128x128xf32>
      %swap3A_456 = vector.shape_cast %mul3A_450 : vector<128x128xf32> to vector<1x128x128xf32>
      tpu.vector_store %arg7[%swap3A_451, %swap3A_452, %swap3A_453], %swap3A_456 {strides = array<i32>} : memref<9x128x128xf32, #tpu.memory_space<vmem>>, vector<1x128x128xf32>,
      %get3A_457 = arith.constant 7 : index
      %get3A_458 = arith.constant 0 : index
      %get3A_459 = arith.constant 0 : index
      %get3A_460 = vector.load %arg3[%get3A_457, %get3A_458, %get3A_459] : memref<8x128x128xf32, #tpu.memory_space<vmem>>, vector<1x128x128xf32>
      %get3A_461 = vector.shape_cast %get3A_460 : vector<1x128x128xf32> to vector<128x128xf32>
      %get3A_462 = arith.constant 896 : index
      %get3A_463 = arith.constant 0 : index
      %get3A_464 = vector.load %arg5[%get3A_462, %get3A_463] : memref<1152x128xf32, #tpu.memory_space<vmem>>, vector<128x128xf32>
      %dot_general3A_465 = arith.constant dense<0.000000e+00> : vector<128x128xf32>
      %dot_general3A_466 = tpu.matmul %get3A_461, %get3A_464, %dot_general3A_465 {dimension_numbers = #tpu.dot_dimension_numbers<[1], [0], [0], [1], [0, 0, 1, 1], [], []>, transpose_lhs_hint = false} : vector<128x128xf32>, vector<128x128xf32>, vector<128x128xf32> -> vector<128x128xf32>
      %mul3A_467 = arith.constant 1.250000e-01 : f32
      %mul3A_468 = vector.broadcast %mul3A_467 : f32 to vector<128x128xf32>
      %mul3A_469 = arith.mulf %dot_general3A_466, %mul3A_468 : vector<128x128xf32>
      %swap3A_470 = arith.constant 7 : index
      %swap3A_471 = arith.constant 0 : index
      %swap3A_472 = arith.constant 0 : index
      %swap3A_473 = vector.load %arg7[%swap3A_470, %swap3A_471, %swap3A_472] : memref<9x128x128xf32, #tpu.memory_space<vmem>>, vector<1x128x128xf32>
      %swap3A_474 = vector.shape_cast %swap3A_473 : vector<1x128x128xf32> to vector<128x128xf32>
      %swap3A_475 = vector.shape_cast %mul3A_469 : vector<128x128xf32> to vector<1x128x128xf32>
      tpu.vector_store %arg7[%swap3A_470, %swap3A_471, %swap3A_472], %swap3A_475 {strides = array<i32>} : memref<9x128x128xf32, #tpu.memory_space<vmem>>, vector<1x128x128xf32>,
      %get3A_476 = arith.constant 0 : index
      %get3A_477 = arith.constant 0 : index
      %get3A_478 = vector.load %arg4[%get3A_476, %get3A_477] : memref<128x128xf32, #tpu.memory_space<vmem>>, vector<128x128xf32>
      %get3A_479 = arith.constant 1024 : index
      %get3A_480 = arith.constant 0 : index
      %get3A_481 = vector.load %arg5[%get3A_479, %get3A_480] : memref<1152x128xf32, #tpu.memory_space<vmem>>, vector<128x128xf32>
      %dot_general3A_482 = arith.constant dense<0.000000e+00> : vector<128x128xf32>
      %dot_general3A_483 = tpu.matmul %get3A_478, %get3A_481, %dot_general3A_482 {dimension_numbers = #tpu.dot_dimension_numbers<[1], [0], [0], [1], [0, 0, 1, 1], [], []>, transpose_lhs_hint = false} : vector<128x128xf32>, vector<128x128xf32>, vector<128x128xf32> -> vector<128x128xf32>
      %swap3A_484 = arith.constant 8 : index
      %swap3A_485 = arith.constant 0 : index
      %swap3A_486 = arith.constant 0 : index
      %swap3A_487 = vector.load %arg7[%swap3A_484, %swap3A_485, %swap3A_486] : memref<9x128x128xf32, #tpu.memory_space<vmem>>, vector<1x128x128xf32>
      %swap3A_488 = vector.shape_cast %swap3A_487 : vector<1x128x128xf32> to vector<128x128xf32>
      %swap3A_489 = vector.shape_cast %dot_general3A_483 : vector<128x128xf32> to vector<1x128x128xf32>
      tpu.vector_store %arg7[%swap3A_484, %swap3A_485, %swap3A_486], %swap3A_489 {strides = array<i32>} : memref<9x128x128xf32, #tpu.memory_space<vmem>>, vector<1x128x128xf32>,
    } else {
    }
    %get3A = arith.constant 0 : index
    %get3A_2 = arith.constant 0 : index
    %get3A_3 = vector.load %arg1[%get3A, %get3A_2] : memref<200x128xf32, #tpu.memory_space<vmem>>, vector<200x128xf32>
    %get3A_4 = arith.constant 8 : index
    %get3A_5 = arith.constant 0 : index
    %get3A_6 = arith.constant 0 : index
    %get3A_7 = vector.load %arg7[%get3A_4, %get3A_5, %get3A_6] : memref<9x128x128xf32, #tpu.memory_space<vmem>>, vector<1x128x128xf32>
    %get3A_8 = vector.shape_cast %get3A_7 : vector<1x128x128xf32> to vector<128x128xf32>
    %dot_general3A = arith.constant dense<0.000000e+00> : vector<200x128xf32>
    %dot_general3A_9 = tpu.matmul %get3A_3, %get3A_8, %dot_general3A {dimension_numbers = #tpu.dot_dimension_numbers<[1], [0], [0], [1], [0, 0, 1, 1], [], []>, transpose_lhs_hint = false} : vector<200x128xf32>, vector<128x128xf32>, vector<200x128xf32> -> vector<200x128xf32>
    %get3A_10 = arith.constant 0 : index
    %get3A_11 = arith.constant 0 : index
    %get3A_12 = vector.load %arg2[%get3A_10, %get3A_11] : memref<200x8192xf32, #tpu.memory_space<vmem>>, vector<200x128xf32>
    %get3A_13 = arith.constant 0 : index
    %get3A_14 = arith.constant 128 : index
    %get3A_15 = vector.load %arg2[%get3A_13, %get3A_14] : memref<200x8192xf32, #tpu.memory_space<vmem>>, vector<200x128xf32>
    %add3A = arith.addf %get3A_12, %get3A_15 : vector<200x128xf32>
    %get3A_16 = arith.constant 0 : index
    %get3A_17 = arith.constant 256 : index
    %get3A_18 = vector.load %arg2[%get3A_16, %get3A_17] : memref<200x8192xf32, #tpu.memory_space<vmem>>, vector<200x128xf32>
    %add3A_19 = arith.addf %add3A, %get3A_18 : vector<200x128xf32>
    %get3A_20 = arith.constant 0 : index
    %get3A_21 = arith.constant 384 : index
    %get3A_22 = vector.load %arg2[%get3A_20, %get3A_21] : memref<200x8192xf32, #tpu.memory_space<vmem>>, vector<200x128xf32>
    %add3A_23 = arith.addf %add3A_19, %get3A_22 : vector<200x128xf32>
    %get3A_24 = arith.constant 0 : index
    %get3A_25 = arith.constant 512 : index
    %get3A_26 = vector.load %arg2[%get3A_24, %get3A_25] : memref<200x8192xf32, #tpu.memory_space<vmem>>, vector<200x128xf32>
    %add3A_27 = arith.addf %add3A_23, %get3A_26 : vector<200x128xf32>
    %get3A_28 = arith.constant 0 : index
    %get3A_29 = arith.constant 640 : index
    %get3A_30 = vector.load %arg2[%get3A_28, %get3A_29] : memref<200x8192xf32, #tpu.memory_space<vmem>>, vector<200x128xf32>
    %add3A_31 = arith.addf %add3A_27, %get3A_30 : vector<200x128xf32>
    %get3A_32 = arith.constant 0 : index
    %get3A_33 = arith.constant 768 : index
    %get3A_34 = vector.load %arg2[%get3A_32, %get3A_33] : memref<200x8192xf32, #tpu.memory_space<vmem>>, vector<200x128xf32>
    %add3A_35 = arith.addf %add3A_31, %get3A_34 : vector<200x128xf32>
    %get3A_36 = arith.constant 0 : index
    %get3A_37 = arith.constant 896 : index
    %get3A_38 = vector.load %arg2[%get3A_36, %get3A_37] : memref<200x8192xf32, #tpu.memory_space<vmem>>, vector<200x128xf32>
    %add3A_39 = arith.addf %add3A_35, %get3A_38 : vector<200x128xf32>
    %get3A_40 = arith.constant 0 : index
    %get3A_41 = arith.constant 0 : index
    %get3A_42 = arith.constant 0 : index
    %get3A_43 = vector.load %arg7[%get3A_40, %get3A_41, %get3A_42] : memref<9x128x128xf32, #tpu.memory_space<vmem>>, vector<1x128x128xf32>
    %get3A_44 = vector.shape_cast %get3A_43 : vector<1x128x128xf32> to vector<128x128xf32>
    %dot_general3A_45 = arith.constant dense<0.000000e+00> : vector<200x128xf32>
    %dot_general3A_46 = tpu.matmul %add3A_39, %get3A_44, %dot_general3A_45 {dimension_numbers = #tpu.dot_dimension_numbers<[1], [0], [0], [1], [0, 0, 1, 1], [], []>, transpose_lhs_hint = false} : vector<200x128xf32>, vector<128x128xf32>, vector<200x128xf32> -> vector<200x128xf32>
    %add3A_47 = arith.addf %dot_general3A_9, %dot_general3A_46 : vector<200x128xf32>
    %get3A_48 = arith.constant 0 : index
    %get3A_49 = arith.constant 1024 : index
    %get3A_50 = vector.load %arg2[%get3A_48, %get3A_49] : memref<200x8192xf32, #tpu.memory_space<vmem>>, vector<200x128xf32>
    %get3A_51 = arith.constant 0 : index
    %get3A_52 = arith.constant 1152 : index
    %get3A_53 = vector.load %arg2[%get3A_51, %get3A_52] : memref<200x8192xf32, #tpu.memory_space<vmem>>, vector<200x128xf32>
    %add3A_54 = arith.addf %get3A_50, %get3A_53 : vector<200x128xf32>
    %get3A_55 = arith.constant 0 : index
    %get3A_56 = arith.constant 1280 : index
    %get3A_57 = vector.load %arg2[%get3A_55, %get3A_56] : memref<200x8192xf32, #tpu.memory_space<vmem>>, vector<200x128xf32>
    %add3A_58 = arith.addf %add3A_54, %get3A_57 : vector<200x128xf32>
    %get3A_59 = arith.constant 0 : index
    %get3A_60 = arith.constant 1408 : index
    %get3A_61 = vector.load %arg2[%get3A_59, %get3A_60] : memref<200x8192xf32, #tpu.memory_space<vmem>>, vector<200x128xf32>
    %add3A_62 = arith.addf %add3A_58, %get3A_61 : vector<200x128xf32>
    %get3A_63 = arith.constant 0 : index
    %get3A_64 = arith.constant 1536 : index
    %get3A_65 = vector.load %arg2[%get3A_63, %get3A_64] : memref<200x8192xf32, #tpu.memory_space<vmem>>, vector<200x128xf32>
    %add3A_66 = arith.addf %add3A_62, %get3A_65 : vector<200x128xf32>
    %get3A_67 = arith.constant 0 : index
    %get3A_68 = arith.constant 1664 : index
    %get3A_69 = vector.load %arg2[%get3A_67, %get3A_68] : memref<200x8192xf32, #tpu.memory_space<vmem>>, vector<200x128xf32>
    %add3A_70 = arith.addf %add3A_66, %get3A_69 : vector<200x128xf32>
    %get3A_71 = arith.constant 0 : index
    %get3A_72 = arith.constant 1792 : index
    %get3A_73 = vector.load %arg2[%get3A_71, %get3A_72] : memref<200x8192xf32, #tpu.memory_space<vmem>>, vector<200x128xf32>
    %add3A_74 = arith.addf %add3A_70, %get3A_73 : vector<200x128xf32>
    %get3A_75 = arith.constant 0 : index
    %get3A_76 = arith.constant 1920 : index
    %get3A_77 = vector.load %arg2[%get3A_75, %get3A_76] : memref<200x8192xf32, #tpu.memory_space<vmem>>, vector<200x128xf32>
    %add3A_78 = arith.addf %add3A_74, %get3A_77 : vector<200x128xf32>
    %get3A_79 = arith.constant 1 : index
    %get3A_80 = arith.constant 0 : index
    %get3A_81 = arith.constant 0 : index
    %get3A_82 = vector.load %arg7[%get3A_79, %get3A_80, %get3A_81] : memref<9x128x128xf32, #tpu.memory_space<vmem>>, vector<1x128x128xf32>
    %get3A_83 = vector.shape_cast %get3A_82 : vector<1x128x128xf32> to vector<128x128xf32>
    %dot_general3A_84 = arith.constant dense<0.000000e+00> : vector<200x128xf32>
    %dot_general3A_85 = tpu.matmul %add3A_78, %get3A_83, %dot_general3A_84 {dimension_numbers = #tpu.dot_dimension_numbers<[1], [0], [0], [1], [0, 0, 1, 1], [], []>, transpose_lhs_hint = false} : vector<200x128xf32>, vector<128x128xf32>, vector<200x128xf32> -> vector<200x128xf32>
    %add3A_86 = arith.addf %add3A_47, %dot_general3A_85 : vector<200x128xf32>
    %get3A_87 = arith.constant 0 : index
    %get3A_88 = arith.constant 2048 : index
    %get3A_89 = vector.load %arg2[%get3A_87, %get3A_88] : memref<200x8192xf32, #tpu.memory_space<vmem>>, vector<200x128xf32>
    %get3A_90 = arith.constant 0 : index
    %get3A_91 = arith.constant 2176 : index
    %get3A_92 = vector.load %arg2[%get3A_90, %get3A_91] : memref<200x8192xf32, #tpu.memory_space<vmem>>, vector<200x128xf32>
    %add3A_93 = arith.addf %get3A_89, %get3A_92 : vector<200x128xf32>
    %get3A_94 = arith.constant 0 : index
    %get3A_95 = arith.constant 2304 : index
    %get3A_96 = vector.load %arg2[%get3A_94, %get3A_95] : memref<200x8192xf32, #tpu.memory_space<vmem>>, vector<200x128xf32>
    %add3A_97 = arith.addf %add3A_93, %get3A_96 : vector<200x128xf32>
    %get3A_98 = arith.constant 0 : index
    %get3A_99 = arith.constant 2432 : index
    %get3A_100 = vector.load %arg2[%get3A_98, %get3A_99] : memref<200x8192xf32, #tpu.memory_space<vmem>>, vector<200x128xf32>
    %add3A_101 = arith.addf %add3A_97, %get3A_100 : vector<200x128xf32>
    %get3A_102 = arith.constant 0 : index
    %get3A_103 = arith.constant 2560 : index
    %get3A_104 = vector.load %arg2[%get3A_102, %get3A_103] : memref<200x8192xf32, #tpu.memory_space<vmem>>, vector<200x128xf32>
    %add3A_105 = arith.addf %add3A_101, %get3A_104 : vector<200x128xf32>
    %get3A_106 = arith.constant 0 : index
    %get3A_107 = arith.constant 2688 : index
    %get3A_108 = vector.load %arg2[%get3A_106, %get3A_107] : memref<200x8192xf32, #tpu.memory_space<vmem>>, vector<200x128xf32>
    %add3A_109 = arith.addf %add3A_105, %get3A_108 : vector<200x128xf32>
    %get3A_110 = arith.constant 0 : index
    %get3A_111 = arith.constant 2816 : index
    %get3A_112 = vector.load %arg2[%get3A_110, %get3A_111] : memref<200x8192xf32, #tpu.memory_space<vmem>>, vector<200x128xf32>
    %add3A_113 = arith.addf %add3A_109, %get3A_112 : vector<200x128xf32>
    %get3A_114 = arith.constant 0 : index
    %get3A_115 = arith.constant 2944 : index
    %get3A_116 = vector.load %arg2[%get3A_114, %get3A_115] : memref<200x8192xf32, #tpu.memory_space<vmem>>, vector<200x128xf32>
    %add3A_117 = arith.addf %add3A_113, %get3A_116 : vector<200x128xf32>
    %get3A_118 = arith.constant 2 : index
    %get3A_119 = arith.constant 0 : index
    %get3A_120 = arith.constant 0 : index
    %get3A_121 = vector.load %arg7[%get3A_118, %get3A_119, %get3A_120] : memref<9x128x128xf32, #tpu.memory_space<vmem>>, vector<1x128x128xf32>
    %get3A_122 = vector.shape_cast %get3A_121 : vector<1x128x128xf32> to vector<128x128xf32>
    %dot_general3A_123 = arith.constant dense<0.000000e+00> : vector<200x128xf32>
    %dot_general3A_124 = tpu.matmul %add3A_117, %get3A_122, %dot_general3A_123 {dimension_numbers = #tpu.dot_dimension_numbers<[1], [0], [0], [1], [0, 0, 1, 1], [], []>, transpose_lhs_hint = false} : vector<200x128xf32>, vector<128x128xf32>, vector<200x128xf32> -> vector<200x128xf32>
    %add3A_125 = arith.addf %add3A_86, %dot_general3A_124 : vector<200x128xf32>
    %get3A_126 = arith.constant 0 : index
    %get3A_127 = arith.constant 3072 : index
    %get3A_128 = vector.load %arg2[%get3A_126, %get3A_127] : memref<200x8192xf32, #tpu.memory_space<vmem>>, vector<200x128xf32>
    %get3A_129 = arith.constant 0 : index
    %get3A_130 = arith.constant 3200 : index
    %get3A_131 = vector.load %arg2[%get3A_129, %get3A_130] : memref<200x8192xf32, #tpu.memory_space<vmem>>, vector<200x128xf32>
    %add3A_132 = arith.addf %get3A_128, %get3A_131 : vector<200x128xf32>
    %get3A_133 = arith.constant 0 : index
    %get3A_134 = arith.constant 3328 : index
    %get3A_135 = vector.load %arg2[%get3A_133, %get3A_134] : memref<200x8192xf32, #tpu.memory_space<vmem>>, vector<200x128xf32>
    %add3A_136 = arith.addf %add3A_132, %get3A_135 : vector<200x128xf32>
    %get3A_137 = arith.constant 0 : index
    %get3A_138 = arith.constant 3456 : index
    %get3A_139 = vector.load %arg2[%get3A_137, %get3A_138] : memref<200x8192xf32, #tpu.memory_space<vmem>>, vector<200x128xf32>
    %add3A_140 = arith.addf %add3A_136, %get3A_139 : vector<200x128xf32>
    %get3A_141 = arith.constant 0 : index
    %get3A_142 = arith.constant 3584 : index
    %get3A_143 = vector.load %arg2[%get3A_141, %get3A_142] : memref<200x8192xf32, #tpu.memory_space<vmem>>, vector<200x128xf32>
    %add3A_144 = arith.addf %add3A_140, %get3A_143 : vector<200x128xf32>
    %get3A_145 = arith.constant 0 : index
    %get3A_146 = arith.constant 3712 : index
    %get3A_147 = vector.load %arg2[%get3A_145, %get3A_146] : memref<200x8192xf32, #tpu.memory_space<vmem>>, vector<200x128xf32>
    %add3A_148 = arith.addf %add3A_144, %get3A_147 : vector<200x128xf32>
    %get3A_149 = arith.constant 0 : index
    %get3A_150 = arith.constant 3840 : index
    %get3A_151 = vector.load %arg2[%get3A_149, %get3A_150] : memref<200x8192xf32, #tpu.memory_space<vmem>>, vector<200x128xf32>
    %add3A_152 = arith.addf %add3A_148, %get3A_151 : vector<200x128xf32>
    %get3A_153 = arith.constant 0 : index
    %get3A_154 = arith.constant 3968 : index
    %get3A_155 = vector.load %arg2[%get3A_153, %get3A_154] : memref<200x8192xf32, #tpu.memory_space<vmem>>, vector<200x128xf32>
    %add3A_156 = arith.addf %add3A_152, %get3A_155 : vector<200x128xf32>
    %get3A_157 = arith.constant 3 : index
    %get3A_158 = arith.constant 0 : index
    %get3A_159 = arith.constant 0 : index
    %get3A_160 = vector.load %arg7[%get3A_157, %get3A_158, %get3A_159] : memref<9x128x128xf32, #tpu.memory_space<vmem>>, vector<1x128x128xf32>
    %get3A_161 = vector.shape_cast %get3A_160 : vector<1x128x128xf32> to vector<128x128xf32>
    %dot_general3A_162 = arith.constant dense<0.000000e+00> : vector<200x128xf32>
    %dot_general3A_163 = tpu.matmul %add3A_156, %get3A_161, %dot_general3A_162 {dimension_numbers = #tpu.dot_dimension_numbers<[1], [0], [0], [1], [0, 0, 1, 1], [], []>, transpose_lhs_hint = false} : vector<200x128xf32>, vector<128x128xf32>, vector<200x128xf32> -> vector<200x128xf32>
    %add3A_164 = arith.addf %add3A_125, %dot_general3A_163 : vector<200x128xf32>
    %get3A_165 = arith.constant 0 : index
    %get3A_166 = arith.constant 4096 : index
    %get3A_167 = vector.load %arg2[%get3A_165, %get3A_166] : memref<200x8192xf32, #tpu.memory_space<vmem>>, vector<200x128xf32>
    %get3A_168 = arith.constant 0 : index
    %get3A_169 = arith.constant 4224 : index
    %get3A_170 = vector.load %arg2[%get3A_168, %get3A_169] : memref<200x8192xf32, #tpu.memory_space<vmem>>, vector<200x128xf32>
    %add3A_171 = arith.addf %get3A_167, %get3A_170 : vector<200x128xf32>
    %get3A_172 = arith.constant 0 : index
    %get3A_173 = arith.constant 4352 : index
    %get3A_174 = vector.load %arg2[%get3A_172, %get3A_173] : memref<200x8192xf32, #tpu.memory_space<vmem>>, vector<200x128xf32>
    %add3A_175 = arith.addf %add3A_171, %get3A_174 : vector<200x128xf32>
    %get3A_176 = arith.constant 0 : index
    %get3A_177 = arith.constant 4480 : index
    %get3A_178 = vector.load %arg2[%get3A_176, %get3A_177] : memref<200x8192xf32, #tpu.memory_space<vmem>>, vector<200x128xf32>
    %add3A_179 = arith.addf %add3A_175, %get3A_178 : vector<200x128xf32>
    %get3A_180 = arith.constant 0 : index
    %get3A_181 = arith.constant 4608 : index
    %get3A_182 = vector.load %arg2[%get3A_180, %get3A_181] : memref<200x8192xf32, #tpu.memory_space<vmem>>, vector<200x128xf32>
    %add3A_183 = arith.addf %add3A_179, %get3A_182 : vector<200x128xf32>
    %get3A_184 = arith.constant 0 : index
    %get3A_185 = arith.constant 4736 : index
    %get3A_186 = vector.load %arg2[%get3A_184, %get3A_185] : memref<200x8192xf32, #tpu.memory_space<vmem>>, vector<200x128xf32>
    %add3A_187 = arith.addf %add3A_183, %get3A_186 : vector<200x128xf32>
    %get3A_188 = arith.constant 0 : index
    %get3A_189 = arith.constant 4864 : index
    %get3A_190 = vector.load %arg2[%get3A_188, %get3A_189] : memref<200x8192xf32, #tpu.memory_space<vmem>>, vector<200x128xf32>
    %add3A_191 = arith.addf %add3A_187, %get3A_190 : vector<200x128xf32>
    %get3A_192 = arith.constant 0 : index
    %get3A_193 = arith.constant 4992 : index
    %get3A_194 = vector.load %arg2[%get3A_192, %get3A_193] : memref<200x8192xf32, #tpu.memory_space<vmem>>, vector<200x128xf32>
    %add3A_195 = arith.addf %add3A_191, %get3A_194 : vector<200x128xf32>
    %get3A_196 = arith.constant 4 : index
    %get3A_197 = arith.constant 0 : index
    %get3A_198 = arith.constant 0 : index
    %get3A_199 = vector.load %arg7[%get3A_196, %get3A_197, %get3A_198] : memref<9x128x128xf32, #tpu.memory_space<vmem>>, vector<1x128x128xf32>
    %get3A_200 = vector.shape_cast %get3A_199 : vector<1x128x128xf32> to vector<128x128xf32>
    %dot_general3A_201 = arith.constant dense<0.000000e+00> : vector<200x128xf32>
    %dot_general3A_202 = tpu.matmul %add3A_195, %get3A_200, %dot_general3A_201 {dimension_numbers = #tpu.dot_dimension_numbers<[1], [0], [0], [1], [0, 0, 1, 1], [], []>, transpose_lhs_hint = false} : vector<200x128xf32>, vector<128x128xf32>, vector<200x128xf32> -> vector<200x128xf32>
    %add3A_203 = arith.addf %add3A_164, %dot_general3A_202 : vector<200x128xf32>
    %get3A_204 = arith.constant 0 : index
    %get3A_205 = arith.constant 5120 : index
    %get3A_206 = vector.load %arg2[%get3A_204, %get3A_205] : memref<200x8192xf32, #tpu.memory_space<vmem>>, vector<200x128xf32>
    %get3A_207 = arith.constant 0 : index
    %get3A_208 = arith.constant 5248 : index
    %get3A_209 = vector.load %arg2[%get3A_207, %get3A_208] : memref<200x8192xf32, #tpu.memory_space<vmem>>, vector<200x128xf32>
    %add3A_210 = arith.addf %get3A_206, %get3A_209 : vector<200x128xf32>
    %get3A_211 = arith.constant 0 : index
    %get3A_212 = arith.constant 5376 : index
    %get3A_213 = vector.load %arg2[%get3A_211, %get3A_212] : memref<200x8192xf32, #tpu.memory_space<vmem>>, vector<200x128xf32>
    %add3A_214 = arith.addf %add3A_210, %get3A_213 : vector<200x128xf32>
    %get3A_215 = arith.constant 0 : index
    %get3A_216 = arith.constant 5504 : index
    %get3A_217 = vector.load %arg2[%get3A_215, %get3A_216] : memref<200x8192xf32, #tpu.memory_space<vmem>>, vector<200x128xf32>
    %add3A_218 = arith.addf %add3A_214, %get3A_217 : vector<200x128xf32>
    %get3A_219 = arith.constant 0 : index
    %get3A_220 = arith.constant 5632 : index
    %get3A_221 = vector.load %arg2[%get3A_219, %get3A_220] : memref<200x8192xf32, #tpu.memory_space<vmem>>, vector<200x128xf32>
    %add3A_222 = arith.addf %add3A_218, %get3A_221 : vector<200x128xf32>
    %get3A_223 = arith.constant 0 : index
    %get3A_224 = arith.constant 5760 : index
    %get3A_225 = vector.load %arg2[%get3A_223, %get3A_224] : memref<200x8192xf32, #tpu.memory_space<vmem>>, vector<200x128xf32>
    %add3A_226 = arith.addf %add3A_222, %get3A_225 : vector<200x128xf32>
    %get3A_227 = arith.constant 0 : index
    %get3A_228 = arith.constant 5888 : index
    %get3A_229 = vector.load %arg2[%get3A_227, %get3A_228] : memref<200x8192xf32, #tpu.memory_space<vmem>>, vector<200x128xf32>
    %add3A_230 = arith.addf %add3A_226, %get3A_229 : vector<200x128xf32>
    %get3A_231 = arith.constant 0 : index
    %get3A_232 = arith.constant 6016 : index
    %get3A_233 = vector.load %arg2[%get3A_231, %get3A_232] : memref<200x8192xf32, #tpu.memory_space<vmem>>, vector<200x128xf32>
    %add3A_234 = arith.addf %add3A_230, %get3A_233 : vector<200x128xf32>
    %get3A_235 = arith.constant 5 : index
    %get3A_236 = arith.constant 0 : index
    %get3A_237 = arith.constant 0 : index
    %get3A_238 = vector.load %arg7[%get3A_235, %get3A_236, %get3A_237] : memref<9x128x128xf32, #tpu.memory_space<vmem>>, vector<1x128x128xf32>
    %get3A_239 = vector.shape_cast %get3A_238 : vector<1x128x128xf32> to vector<128x128xf32>
    %dot_general3A_240 = arith.constant dense<0.000000e+00> : vector<200x128xf32>
    %dot_general3A_241 = tpu.matmul %add3A_234, %get3A_239, %dot_general3A_240 {dimension_numbers = #tpu.dot_dimension_numbers<[1], [0], [0], [1], [0, 0, 1, 1], [], []>, transpose_lhs_hint = false} : vector<200x128xf32>, vector<128x128xf32>, vector<200x128xf32> -> vector<200x128xf32>
    %add3A_242 = arith.addf %add3A_203, %dot_general3A_241 : vector<200x128xf32>
    %get3A_243 = arith.constant 0 : index
    %get3A_244 = arith.constant 6144 : index
    %get3A_245 = vector.load %arg2[%get3A_243, %get3A_244] : memref<200x8192xf32, #tpu.memory_space<vmem>>, vector<200x128xf32>
    %get3A_246 = arith.constant 0 : index
    %get3A_247 = arith.constant 6272 : index
    %get3A_248 = vector.load %arg2[%get3A_246, %get3A_247] : memref<200x8192xf32, #tpu.memory_space<vmem>>, vector<200x128xf32>
    %add3A_249 = arith.addf %get3A_245, %get3A_248 : vector<200x128xf32>
    %get3A_250 = arith.constant 0 : index
    %get3A_251 = arith.constant 6400 : index
    %get3A_252 = vector.load %arg2[%get3A_250, %get3A_251] : memref<200x8192xf32, #tpu.memory_space<vmem>>, vector<200x128xf32>
    %add3A_253 = arith.addf %add3A_249, %get3A_252 : vector<200x128xf32>
    %get3A_254 = arith.constant 0 : index
    %get3A_255 = arith.constant 6528 : index
    %get3A_256 = vector.load %arg2[%get3A_254, %get3A_255] : memref<200x8192xf32, #tpu.memory_space<vmem>>, vector<200x128xf32>
    %add3A_257 = arith.addf %add3A_253, %get3A_256 : vector<200x128xf32>
    %get3A_258 = arith.constant 0 : index
    %get3A_259 = arith.constant 6656 : index
    %get3A_260 = vector.load %arg2[%get3A_258, %get3A_259] : memref<200x8192xf32, #tpu.memory_space<vmem>>, vector<200x128xf32>
    %add3A_261 = arith.addf %add3A_257, %get3A_260 : vector<200x128xf32>
    %get3A_262 = arith.constant 0 : index
    %get3A_263 = arith.constant 6784 : index
    %get3A_264 = vector.load %arg2[%get3A_262, %get3A_263] : memref<200x8192xf32, #tpu.memory_space<vmem>>, vector<200x128xf32>
    %add3A_265 = arith.addf %add3A_261, %get3A_264 : vector<200x128xf32>
    %get3A_266 = arith.constant 0 : index
    %get3A_267 = arith.constant 6912 : index
    %get3A_268 = vector.load %arg2[%get3A_266, %get3A_267] : memref<200x8192xf32, #tpu.memory_space<vmem>>, vector<200x128xf32>
    %add3A_269 = arith.addf %add3A_265, %get3A_268 : vector<200x128xf32>
    %get3A_270 = arith.constant 0 : index
    %get3A_271 = arith.constant 7040 : index
    %get3A_272 = vector.load %arg2[%get3A_270, %get3A_271] : memref<200x8192xf32, #tpu.memory_space<vmem>>, vector<200x128xf32>
    %add3A_273 = arith.addf %add3A_269, %get3A_272 : vector<200x128xf32>
    %get3A_274 = arith.constant 6 : index
    %get3A_275 = arith.constant 0 : index
    %get3A_276 = arith.constant 0 : index
    %get3A_277 = vector.load %arg7[%get3A_274, %get3A_275, %get3A_276] : memref<9x128x128xf32, #tpu.memory_space<vmem>>, vector<1x128x128xf32>
    %get3A_278 = vector.shape_cast %get3A_277 : vector<1x128x128xf32> to vector<128x128xf32>
    %dot_general3A_279 = arith.constant dense<0.000000e+00> : vector<200x128xf32>
    %dot_general3A_280 = tpu.matmul %add3A_273, %get3A_278, %dot_general3A_279 {dimension_numbers = #tpu.dot_dimension_numbers<[1], [0], [0], [1], [0, 0, 1, 1], [], []>, transpose_lhs_hint = false} : vector<200x128xf32>, vector<128x128xf32>, vector<200x128xf32> -> vector<200x128xf32>
    %add3A_281 = arith.addf %add3A_242, %dot_general3A_280 : vector<200x128xf32>
    %get3A_282 = arith.constant 0 : index
    %get3A_283 = arith.constant 7168 : index
    %get3A_284 = vector.load %arg2[%get3A_282, %get3A_283] : memref<200x8192xf32, #tpu.memory_space<vmem>>, vector<200x128xf32>
    %get3A_285 = arith.constant 0 : index
    %get3A_286 = arith.constant 7296 : index
    %get3A_287 = vector.load %arg2[%get3A_285, %get3A_286] : memref<200x8192xf32, #tpu.memory_space<vmem>>, vector<200x128xf32>
    %add3A_288 = arith.addf %get3A_284, %get3A_287 : vector<200x128xf32>
    %get3A_289 = arith.constant 0 : index
    %get3A_290 = arith.constant 7424 : index
    %get3A_291 = vector.load %arg2[%get3A_289, %get3A_290] : memref<200x8192xf32, #tpu.memory_space<vmem>>, vector<200x128xf32>
    %add3A_292 = arith.addf %add3A_288, %get3A_291 : vector<200x128xf32>
    %get3A_293 = arith.constant 0 : index
    %get3A_294 = arith.constant 7552 : index
    %get3A_295 = vector.load %arg2[%get3A_293, %get3A_294] : memref<200x8192xf32, #tpu.memory_space<vmem>>, vector<200x128xf32>
    %add3A_296 = arith.addf %add3A_292, %get3A_295 : vector<200x128xf32>
    %get3A_297 = arith.constant 0 : index
    %get3A_298 = arith.constant 7680 : index
    %get3A_299 = vector.load %arg2[%get3A_297, %get3A_298] : memref<200x8192xf32, #tpu.memory_space<vmem>>, vector<200x128xf32>
    %add3A_300 = arith.addf %add3A_296, %get3A_299 : vector<200x128xf32>
    %get3A_301 = arith.constant 0 : index
    %get3A_302 = arith.constant 7808 : index
    %get3A_303 = vector.load %arg2[%get3A_301, %get3A_302] : memref<200x8192xf32, #tpu.memory_space<vmem>>, vector<200x128xf32>
    %add3A_304 = arith.addf %add3A_300, %get3A_303 : vector<200x128xf32>
    %get3A_305 = arith.constant 0 : index
    %get3A_306 = arith.constant 7936 : index
    %get3A_307 = vector.load %arg2[%get3A_305, %get3A_306] : memref<200x8192xf32, #tpu.memory_space<vmem>>, vector<200x128xf32>
    %add3A_308 = arith.addf %add3A_304, %get3A_307 : vector<200x128xf32>
    %get3A_309 = arith.constant 0 : index
    %get3A_310 = arith.constant 8064 : index
    %get3A_311 = vector.load %arg2[%get3A_309, %get3A_310] : memref<200x8192xf32, #tpu.memory_space<vmem>>, vector<200x128xf32>
    %add3A_312 = arith.addf %add3A_308, %get3A_311 : vector<200x128xf32>
    %get3A_313 = arith.constant 7 : index
    %get3A_314 = arith.constant 0 : index
    %get3A_315 = arith.constant 0 : index
    %get3A_316 = vector.load %arg7[%get3A_313, %get3A_314, %get3A_315] : memref<9x128x128xf32, #tpu.memory_space<vmem>>, vector<1x128x128xf32>
    %get3A_317 = vector.shape_cast %get3A_316 : vector<1x128x128xf32> to vector<128x128xf32>
    %dot_general3A_318 = arith.constant dense<0.000000e+00> : vector<200x128xf32>
    %dot_general3A_319 = tpu.matmul %add3A_312, %get3A_317, %dot_general3A_318 {dimension_numbers = #tpu.dot_dimension_numbers<[1], [0], [0], [1], [0, 0, 1, 1], [], []>, transpose_lhs_hint = false} : vector<200x128xf32>, vector<128x128xf32>, vector<200x128xf32> -> vector<200x128xf32>
    %add3A_320 = arith.addf %add3A_281, %dot_general3A_319 : vector<200x128xf32>
    %max3A = arith.constant 0.000000e+00 : f32
    %max3A_321 = vector.broadcast %max3A : f32 to vector<200x128xf32>
    %max3A_322 = arith.maximumf %add3A_320, %max3A_321 : vector<200x128xf32>
    %swap3A = arith.constant 0 : index
    %swap3A_323 = arith.constant 0 : index
    %swap3A_324 = vector.load %arg6[%swap3A, %swap3A_323] : memref<200x128xf32, #tpu.memory_space<vmem>>, vector<200x128xf32>
    tpu.vector_store %arg6[%swap3A, %swap3A_323], %max3A_322 {strides = array<i32>} : memref<200x128xf32, #tpu.memory_space<vmem>>, vector<200x128xf32>,
    return
  }
  func.func @transform_0(%arg0: i32) -> (i32, i32) {
    %c0_i32 = arith.constant 0 : i32
    %c0_i32_0 = arith.constant 0 : i32
    return %arg0, %c0_i32 : i32, i32
  }
  func.func @transform_1(%arg0: i32) -> (i32, i32) {
    %c0_i32 = arith.constant 0 : i32
    %c0_i32_0 = arith.constant 0 : i32
    return %arg0, %c0_i32 : i32, i32
  }
  func.func @transform_2(%arg0: i32) -> (i32, i32, i32) {
    %c0_i32 = arith.constant 0 : i32
    %c0_i32_0 = arith.constant 0 : i32
    %c0_i32_1 = arith.constant 0 : i32
    %c0_i32_2 = arith.constant 0 : i32
    return %c0_i32, %c0_i32_0, %c0_i32_1 : i32, i32, i32
  }
  func.func @transform_3(%arg0: i32) -> (i32, i32) {
    %c0_i32 = arith.constant 0 : i32
    %c0_i32_0 = arith.constant 0 : i32
    %c0_i32_1 = arith.constant 0 : i32
    return %c0_i32, %c0_i32_0 : i32, i32
  }
  func.func @transform_4(%arg0: i32) -> (i32, i32) {
    %c0_i32 = arith.constant 0 : i32
    %c0_i32_0 = arith.constant 0 : i32
    %c0_i32_1 = arith.constant 0 : i32
    return %c0_i32, %c0_i32_0 : i32, i32
  }
  func.func @transform_5(%arg0: i32) -> (i32, i32) {
    %c0_i32 = arith.constant 0 : i32
    %c0_i32_0 = arith.constant 0 : i32
    return %arg0, %c0_i32 : i32, i32
  }
}

module attributes {stable_mosaic.version = 14 : i64} {
  func.func @_tc_sums_block(%arg0: i32, %arg1: memref<1200x128xf32, #tpu.memory_space<vmem>>, %arg2: memref<1200x1024xf32, #tpu.memory_space<vmem>>, %arg3: memref<8x128x128xf32, #tpu.memory_space<vmem>>, %arg4: memref<128x128xf32, #tpu.memory_space<vmem>>, %arg5: memref<1152x128xf32, #tpu.memory_space<vmem>>, %arg6: memref<1200x128xf32, #tpu.memory_space<vmem>>, %arg7: memref<9x128x128xf32, #tpu.memory_space<vmem>>) attributes {dimension_semantics = [#tpu.dimension_semantics<arbitrary>], iteration_bounds = array<i64: 1>, scalar_prefetch = 0 : i64, scratch_operands = 1 : i64, tpu.core_type = #tpu.core_type<tc>, window_params = [{transform_indices = @transform_0, window_bounds = array<i64: 1200, 128>}, {transform_indices = @transform_1, window_bounds = array<i64: 1200, 1024>}, {pipeline_mode = #tpu.pipeline_mode<synchronous>, transform_indices = @transform_2, window_bounds = array<i64: 8, 128, 128>}, {pipeline_mode = #tpu.pipeline_mode<synchronous>, transform_indices = @transform_3, window_bounds = array<i64: 128, 128>}, {pipeline_mode = #tpu.pipeline_mode<synchronous>, transform_indices = @transform_4, window_bounds = array<i64: 1152, 128>}, {transform_indices = @transform_5, window_bounds = array<i64: 1200, 128>}]} {
    %eq3A = arith.constant 0 : i32
    %eq3A_0 = arith.cmpi eq, %arg0, %eq3A : i32
    %convert_element_type3A = arith.extui %eq3A_0 : i1 to i32
    %cond3A = arith.constant 0 : i32
    %cond3A_1 = arith.cmpi ne, %convert_element_type3A, %cond3A : i32
    scf.if %cond3A_1 {
      %get3A_101 = arith.constant 0 : index
      %get3A_102 = arith.constant 0 : index
      %get3A_103 = arith.constant 0 : index
      %get3A_104 = vector.load %arg3[%get3A_101, %get3A_102, %get3A_103] : memref<8x128x128xf32, #tpu.memory_space<vmem>>, vector<1x128x128xf32>
      %get3A_105 = vector.shape_cast %get3A_104 : vector<1x128x128xf32> to vector<128x128xf32>
      %get3A_106 = arith.constant 0 : index
      %get3A_107 = arith.constant 0 : index
      %get3A_108 = vector.load %arg5[%get3A_106, %get3A_107] : memref<1152x128xf32, #tpu.memory_space<vmem>>, vector<128x128xf32>
      %dot_general3A_109 = arith.constant dense<0.000000e+00> : vector<128x128xf32>
      %dot_general3A_110 = tpu.matmul %get3A_105, %get3A_108, %dot_general3A_109 {dimension_numbers = #tpu.dot_dimension_numbers<[1], [0], [0], [1], [0, 0, 1, 1], [], []>, transpose_lhs_hint = false} : vector<128x128xf32>, vector<128x128xf32>, vector<128x128xf32> -> vector<128x128xf32>
      %mul3A = arith.constant 1.250000e-01 : f32
      %mul3A_111 = vector.broadcast %mul3A : f32 to vector<128x128xf32>
      %mul3A_112 = arith.mulf %dot_general3A_110, %mul3A_111 : vector<128x128xf32>
      %swap3A_113 = arith.constant 0 : index
      %swap3A_114 = arith.constant 0 : index
      %swap3A_115 = arith.constant 0 : index
      %swap3A_116 = vector.load %arg7[%swap3A_113, %swap3A_114, %swap3A_115] : memref<9x128x128xf32, #tpu.memory_space<vmem>>, vector<1x128x128xf32>
      %swap3A_117 = vector.shape_cast %swap3A_116 : vector<1x128x128xf32> to vector<128x128xf32>
      %swap3A_118 = vector.shape_cast %mul3A_112 : vector<128x128xf32> to vector<1x128x128xf32>
      tpu.vector_store %arg7[%swap3A_113, %swap3A_114, %swap3A_115], %swap3A_118 {strides = array<i32>} : memref<9x128x128xf32, #tpu.memory_space<vmem>>, vector<1x128x128xf32>,
      %get3A_119 = arith.constant 1 : index
      %get3A_120 = arith.constant 0 : index
      %get3A_121 = arith.constant 0 : index
      %get3A_122 = vector.load %arg3[%get3A_119, %get3A_120, %get3A_121] : memref<8x128x128xf32, #tpu.memory_space<vmem>>, vector<1x128x128xf32>
      %get3A_123 = vector.shape_cast %get3A_122 : vector<1x128x128xf32> to vector<128x128xf32>
      %get3A_124 = arith.constant 128 : index
      %get3A_125 = arith.constant 0 : index
      %get3A_126 = vector.load %arg5[%get3A_124, %get3A_125] : memref<1152x128xf32, #tpu.memory_space<vmem>>, vector<128x128xf32>
      %dot_general3A_127 = arith.constant dense<0.000000e+00> : vector<128x128xf32>
      %dot_general3A_128 = tpu.matmul %get3A_123, %get3A_126, %dot_general3A_127 {dimension_numbers = #tpu.dot_dimension_numbers<[1], [0], [0], [1], [0, 0, 1, 1], [], []>, transpose_lhs_hint = false} : vector<128x128xf32>, vector<128x128xf32>, vector<128x128xf32> -> vector<128x128xf32>
      %mul3A_129 = arith.constant 1.250000e-01 : f32
      %mul3A_130 = vector.broadcast %mul3A_129 : f32 to vector<128x128xf32>
      %mul3A_131 = arith.mulf %dot_general3A_128, %mul3A_130 : vector<128x128xf32>
      %swap3A_132 = arith.constant 1 : index
      %swap3A_133 = arith.constant 0 : index
      %swap3A_134 = arith.constant 0 : index
      %swap3A_135 = vector.load %arg7[%swap3A_132, %swap3A_133, %swap3A_134] : memref<9x128x128xf32, #tpu.memory_space<vmem>>, vector<1x128x128xf32>
      %swap3A_136 = vector.shape_cast %swap3A_135 : vector<1x128x128xf32> to vector<128x128xf32>
      %swap3A_137 = vector.shape_cast %mul3A_131 : vector<128x128xf32> to vector<1x128x128xf32>
      tpu.vector_store %arg7[%swap3A_132, %swap3A_133, %swap3A_134], %swap3A_137 {strides = array<i32>} : memref<9x128x128xf32, #tpu.memory_space<vmem>>, vector<1x128x128xf32>,
      %get3A_138 = arith.constant 2 : index
      %get3A_139 = arith.constant 0 : index
      %get3A_140 = arith.constant 0 : index
      %get3A_141 = vector.load %arg3[%get3A_138, %get3A_139, %get3A_140] : memref<8x128x128xf32, #tpu.memory_space<vmem>>, vector<1x128x128xf32>
      %get3A_142 = vector.shape_cast %get3A_141 : vector<1x128x128xf32> to vector<128x128xf32>
      %get3A_143 = arith.constant 256 : index
      %get3A_144 = arith.constant 0 : index
      %get3A_145 = vector.load %arg5[%get3A_143, %get3A_144] : memref<1152x128xf32, #tpu.memory_space<vmem>>, vector<128x128xf32>
      %dot_general3A_146 = arith.constant dense<0.000000e+00> : vector<128x128xf32>
      %dot_general3A_147 = tpu.matmul %get3A_142, %get3A_145, %dot_general3A_146 {dimension_numbers = #tpu.dot_dimension_numbers<[1], [0], [0], [1], [0, 0, 1, 1], [], []>, transpose_lhs_hint = false} : vector<128x128xf32>, vector<128x128xf32>, vector<128x128xf32> -> vector<128x128xf32>
      %mul3A_148 = arith.constant 1.250000e-01 : f32
      %mul3A_149 = vector.broadcast %mul3A_148 : f32 to vector<128x128xf32>
      %mul3A_150 = arith.mulf %dot_general3A_147, %mul3A_149 : vector<128x128xf32>
      %swap3A_151 = arith.constant 2 : index
      %swap3A_152 = arith.constant 0 : index
      %swap3A_153 = arith.constant 0 : index
      %swap3A_154 = vector.load %arg7[%swap3A_151, %swap3A_152, %swap3A_153] : memref<9x128x128xf32, #tpu.memory_space<vmem>>, vector<1x128x128xf32>
      %swap3A_155 = vector.shape_cast %swap3A_154 : vector<1x128x128xf32> to vector<128x128xf32>
      %swap3A_156 = vector.shape_cast %mul3A_150 : vector<128x128xf32> to vector<1x128x128xf32>
      tpu.vector_store %arg7[%swap3A_151, %swap3A_152, %swap3A_153], %swap3A_156 {strides = array<i32>} : memref<9x128x128xf32, #tpu.memory_space<vmem>>, vector<1x128x128xf32>,
      %get3A_157 = arith.constant 3 : index
      %get3A_158 = arith.constant 0 : index
      %get3A_159 = arith.constant 0 : index
      %get3A_160 = vector.load %arg3[%get3A_157, %get3A_158, %get3A_159] : memref<8x128x128xf32, #tpu.memory_space<vmem>>, vector<1x128x128xf32>
      %get3A_161 = vector.shape_cast %get3A_160 : vector<1x128x128xf32> to vector<128x128xf32>
      %get3A_162 = arith.constant 384 : index
      %get3A_163 = arith.constant 0 : index
      %get3A_164 = vector.load %arg5[%get3A_162, %get3A_163] : memref<1152x128xf32, #tpu.memory_space<vmem>>, vector<128x128xf32>
      %dot_general3A_165 = arith.constant dense<0.000000e+00> : vector<128x128xf32>
      %dot_general3A_166 = tpu.matmul %get3A_161, %get3A_164, %dot_general3A_165 {dimension_numbers = #tpu.dot_dimension_numbers<[1], [0], [0], [1], [0, 0, 1, 1], [], []>, transpose_lhs_hint = false} : vector<128x128xf32>, vector<128x128xf32>, vector<128x128xf32> -> vector<128x128xf32>
      %mul3A_167 = arith.constant 1.250000e-01 : f32
      %mul3A_168 = vector.broadcast %mul3A_167 : f32 to vector<128x128xf32>
      %mul3A_169 = arith.mulf %dot_general3A_166, %mul3A_168 : vector<128x128xf32>
      %swap3A_170 = arith.constant 3 : index
      %swap3A_171 = arith.constant 0 : index
      %swap3A_172 = arith.constant 0 : index
      %swap3A_173 = vector.load %arg7[%swap3A_170, %swap3A_171, %swap3A_172] : memref<9x128x128xf32, #tpu.memory_space<vmem>>, vector<1x128x128xf32>
      %swap3A_174 = vector.shape_cast %swap3A_173 : vector<1x128x128xf32> to vector<128x128xf32>
      %swap3A_175 = vector.shape_cast %mul3A_169 : vector<128x128xf32> to vector<1x128x128xf32>
      tpu.vector_store %arg7[%swap3A_170, %swap3A_171, %swap3A_172], %swap3A_175 {strides = array<i32>} : memref<9x128x128xf32, #tpu.memory_space<vmem>>, vector<1x128x128xf32>,
      %get3A_176 = arith.constant 4 : index
      %get3A_177 = arith.constant 0 : index
      %get3A_178 = arith.constant 0 : index
      %get3A_179 = vector.load %arg3[%get3A_176, %get3A_177, %get3A_178] : memref<8x128x128xf32, #tpu.memory_space<vmem>>, vector<1x128x128xf32>
      %get3A_180 = vector.shape_cast %get3A_179 : vector<1x128x128xf32> to vector<128x128xf32>
      %get3A_181 = arith.constant 512 : index
      %get3A_182 = arith.constant 0 : index
      %get3A_183 = vector.load %arg5[%get3A_181, %get3A_182] : memref<1152x128xf32, #tpu.memory_space<vmem>>, vector<128x128xf32>
      %dot_general3A_184 = arith.constant dense<0.000000e+00> : vector<128x128xf32>
      %dot_general3A_185 = tpu.matmul %get3A_180, %get3A_183, %dot_general3A_184 {dimension_numbers = #tpu.dot_dimension_numbers<[1], [0], [0], [1], [0, 0, 1, 1], [], []>, transpose_lhs_hint = false} : vector<128x128xf32>, vector<128x128xf32>, vector<128x128xf32> -> vector<128x128xf32>
      %mul3A_186 = arith.constant 1.250000e-01 : f32
      %mul3A_187 = vector.broadcast %mul3A_186 : f32 to vector<128x128xf32>
      %mul3A_188 = arith.mulf %dot_general3A_185, %mul3A_187 : vector<128x128xf32>
      %swap3A_189 = arith.constant 4 : index
      %swap3A_190 = arith.constant 0 : index
      %swap3A_191 = arith.constant 0 : index
      %swap3A_192 = vector.load %arg7[%swap3A_189, %swap3A_190, %swap3A_191] : memref<9x128x128xf32, #tpu.memory_space<vmem>>, vector<1x128x128xf32>
      %swap3A_193 = vector.shape_cast %swap3A_192 : vector<1x128x128xf32> to vector<128x128xf32>
      %swap3A_194 = vector.shape_cast %mul3A_188 : vector<128x128xf32> to vector<1x128x128xf32>
      tpu.vector_store %arg7[%swap3A_189, %swap3A_190, %swap3A_191], %swap3A_194 {strides = array<i32>} : memref<9x128x128xf32, #tpu.memory_space<vmem>>, vector<1x128x128xf32>,
      %get3A_195 = arith.constant 5 : index
      %get3A_196 = arith.constant 0 : index
      %get3A_197 = arith.constant 0 : index
      %get3A_198 = vector.load %arg3[%get3A_195, %get3A_196, %get3A_197] : memref<8x128x128xf32, #tpu.memory_space<vmem>>, vector<1x128x128xf32>
      %get3A_199 = vector.shape_cast %get3A_198 : vector<1x128x128xf32> to vector<128x128xf32>
      %get3A_200 = arith.constant 640 : index
      %get3A_201 = arith.constant 0 : index
      %get3A_202 = vector.load %arg5[%get3A_200, %get3A_201] : memref<1152x128xf32, #tpu.memory_space<vmem>>, vector<128x128xf32>
      %dot_general3A_203 = arith.constant dense<0.000000e+00> : vector<128x128xf32>
      %dot_general3A_204 = tpu.matmul %get3A_199, %get3A_202, %dot_general3A_203 {dimension_numbers = #tpu.dot_dimension_numbers<[1], [0], [0], [1], [0, 0, 1, 1], [], []>, transpose_lhs_hint = false} : vector<128x128xf32>, vector<128x128xf32>, vector<128x128xf32> -> vector<128x128xf32>
      %mul3A_205 = arith.constant 1.250000e-01 : f32
      %mul3A_206 = vector.broadcast %mul3A_205 : f32 to vector<128x128xf32>
      %mul3A_207 = arith.mulf %dot_general3A_204, %mul3A_206 : vector<128x128xf32>
      %swap3A_208 = arith.constant 5 : index
      %swap3A_209 = arith.constant 0 : index
      %swap3A_210 = arith.constant 0 : index
      %swap3A_211 = vector.load %arg7[%swap3A_208, %swap3A_209, %swap3A_210] : memref<9x128x128xf32, #tpu.memory_space<vmem>>, vector<1x128x128xf32>
      %swap3A_212 = vector.shape_cast %swap3A_211 : vector<1x128x128xf32> to vector<128x128xf32>
      %swap3A_213 = vector.shape_cast %mul3A_207 : vector<128x128xf32> to vector<1x128x128xf32>
      tpu.vector_store %arg7[%swap3A_208, %swap3A_209, %swap3A_210], %swap3A_213 {strides = array<i32>} : memref<9x128x128xf32, #tpu.memory_space<vmem>>, vector<1x128x128xf32>,
      %get3A_214 = arith.constant 6 : index
      %get3A_215 = arith.constant 0 : index
      %get3A_216 = arith.constant 0 : index
      %get3A_217 = vector.load %arg3[%get3A_214, %get3A_215, %get3A_216] : memref<8x128x128xf32, #tpu.memory_space<vmem>>, vector<1x128x128xf32>
      %get3A_218 = vector.shape_cast %get3A_217 : vector<1x128x128xf32> to vector<128x128xf32>
      %get3A_219 = arith.constant 768 : index
      %get3A_220 = arith.constant 0 : index
      %get3A_221 = vector.load %arg5[%get3A_219, %get3A_220] : memref<1152x128xf32, #tpu.memory_space<vmem>>, vector<128x128xf32>
      %dot_general3A_222 = arith.constant dense<0.000000e+00> : vector<128x128xf32>
      %dot_general3A_223 = tpu.matmul %get3A_218, %get3A_221, %dot_general3A_222 {dimension_numbers = #tpu.dot_dimension_numbers<[1], [0], [0], [1], [0, 0, 1, 1], [], []>, transpose_lhs_hint = false} : vector<128x128xf32>, vector<128x128xf32>, vector<128x128xf32> -> vector<128x128xf32>
      %mul3A_224 = arith.constant 1.250000e-01 : f32
      %mul3A_225 = vector.broadcast %mul3A_224 : f32 to vector<128x128xf32>
      %mul3A_226 = arith.mulf %dot_general3A_223, %mul3A_225 : vector<128x128xf32>
      %swap3A_227 = arith.constant 6 : index
      %swap3A_228 = arith.constant 0 : index
      %swap3A_229 = arith.constant 0 : index
      %swap3A_230 = vector.load %arg7[%swap3A_227, %swap3A_228, %swap3A_229] : memref<9x128x128xf32, #tpu.memory_space<vmem>>, vector<1x128x128xf32>
      %swap3A_231 = vector.shape_cast %swap3A_230 : vector<1x128x128xf32> to vector<128x128xf32>
      %swap3A_232 = vector.shape_cast %mul3A_226 : vector<128x128xf32> to vector<1x128x128xf32>
      tpu.vector_store %arg7[%swap3A_227, %swap3A_228, %swap3A_229], %swap3A_232 {strides = array<i32>} : memref<9x128x128xf32, #tpu.memory_space<vmem>>, vector<1x128x128xf32>,
      %get3A_233 = arith.constant 7 : index
      %get3A_234 = arith.constant 0 : index
      %get3A_235 = arith.constant 0 : index
      %get3A_236 = vector.load %arg3[%get3A_233, %get3A_234, %get3A_235] : memref<8x128x128xf32, #tpu.memory_space<vmem>>, vector<1x128x128xf32>
      %get3A_237 = vector.shape_cast %get3A_236 : vector<1x128x128xf32> to vector<128x128xf32>
      %get3A_238 = arith.constant 896 : index
      %get3A_239 = arith.constant 0 : index
      %get3A_240 = vector.load %arg5[%get3A_238, %get3A_239] : memref<1152x128xf32, #tpu.memory_space<vmem>>, vector<128x128xf32>
      %dot_general3A_241 = arith.constant dense<0.000000e+00> : vector<128x128xf32>
      %dot_general3A_242 = tpu.matmul %get3A_237, %get3A_240, %dot_general3A_241 {dimension_numbers = #tpu.dot_dimension_numbers<[1], [0], [0], [1], [0, 0, 1, 1], [], []>, transpose_lhs_hint = false} : vector<128x128xf32>, vector<128x128xf32>, vector<128x128xf32> -> vector<128x128xf32>
      %mul3A_243 = arith.constant 1.250000e-01 : f32
      %mul3A_244 = vector.broadcast %mul3A_243 : f32 to vector<128x128xf32>
      %mul3A_245 = arith.mulf %dot_general3A_242, %mul3A_244 : vector<128x128xf32>
      %swap3A_246 = arith.constant 7 : index
      %swap3A_247 = arith.constant 0 : index
      %swap3A_248 = arith.constant 0 : index
      %swap3A_249 = vector.load %arg7[%swap3A_246, %swap3A_247, %swap3A_248] : memref<9x128x128xf32, #tpu.memory_space<vmem>>, vector<1x128x128xf32>
      %swap3A_250 = vector.shape_cast %swap3A_249 : vector<1x128x128xf32> to vector<128x128xf32>
      %swap3A_251 = vector.shape_cast %mul3A_245 : vector<128x128xf32> to vector<1x128x128xf32>
      tpu.vector_store %arg7[%swap3A_246, %swap3A_247, %swap3A_248], %swap3A_251 {strides = array<i32>} : memref<9x128x128xf32, #tpu.memory_space<vmem>>, vector<1x128x128xf32>,
      %get3A_252 = arith.constant 0 : index
      %get3A_253 = arith.constant 0 : index
      %get3A_254 = vector.load %arg4[%get3A_252, %get3A_253] : memref<128x128xf32, #tpu.memory_space<vmem>>, vector<128x128xf32>
      %get3A_255 = arith.constant 1024 : index
      %get3A_256 = arith.constant 0 : index
      %get3A_257 = vector.load %arg5[%get3A_255, %get3A_256] : memref<1152x128xf32, #tpu.memory_space<vmem>>, vector<128x128xf32>
      %dot_general3A_258 = arith.constant dense<0.000000e+00> : vector<128x128xf32>
      %dot_general3A_259 = tpu.matmul %get3A_254, %get3A_257, %dot_general3A_258 {dimension_numbers = #tpu.dot_dimension_numbers<[1], [0], [0], [1], [0, 0, 1, 1], [], []>, transpose_lhs_hint = false} : vector<128x128xf32>, vector<128x128xf32>, vector<128x128xf32> -> vector<128x128xf32>
      %swap3A_260 = arith.constant 8 : index
      %swap3A_261 = arith.constant 0 : index
      %swap3A_262 = arith.constant 0 : index
      %swap3A_263 = vector.load %arg7[%swap3A_260, %swap3A_261, %swap3A_262] : memref<9x128x128xf32, #tpu.memory_space<vmem>>, vector<1x128x128xf32>
      %swap3A_264 = vector.shape_cast %swap3A_263 : vector<1x128x128xf32> to vector<128x128xf32>
      %swap3A_265 = vector.shape_cast %dot_general3A_259 : vector<128x128xf32> to vector<1x128x128xf32>
      tpu.vector_store %arg7[%swap3A_260, %swap3A_261, %swap3A_262], %swap3A_265 {strides = array<i32>} : memref<9x128x128xf32, #tpu.memory_space<vmem>>, vector<1x128x128xf32>,
    } else {
    }
    %get3A = arith.constant 0 : index
    %get3A_2 = arith.constant 0 : index
    %get3A_3 = vector.load %arg1[%get3A, %get3A_2] : memref<1200x128xf32, #tpu.memory_space<vmem>>, vector<1200x128xf32>
    %get3A_4 = arith.constant 8 : index
    %get3A_5 = arith.constant 0 : index
    %get3A_6 = arith.constant 0 : index
    %get3A_7 = vector.load %arg7[%get3A_4, %get3A_5, %get3A_6] : memref<9x128x128xf32, #tpu.memory_space<vmem>>, vector<1x128x128xf32>
    %get3A_8 = vector.shape_cast %get3A_7 : vector<1x128x128xf32> to vector<128x128xf32>
    %dot_general3A = arith.constant dense<0.000000e+00> : vector<1200x128xf32>
    %dot_general3A_9 = tpu.matmul %get3A_3, %get3A_8, %dot_general3A {dimension_numbers = #tpu.dot_dimension_numbers<[1], [0], [0], [1], [0, 0, 1, 1], [], []>, transpose_lhs_hint = false} : vector<1200x128xf32>, vector<128x128xf32>, vector<1200x128xf32> -> vector<1200x128xf32>
    %get3A_10 = arith.constant 0 : index
    %get3A_11 = arith.constant 0 : index
    %get3A_12 = vector.load %arg2[%get3A_10, %get3A_11] : memref<1200x1024xf32, #tpu.memory_space<vmem>>, vector<1200x128xf32>
    %get3A_13 = arith.constant 0 : index
    %get3A_14 = arith.constant 0 : index
    %get3A_15 = arith.constant 0 : index
    %get3A_16 = vector.load %arg7[%get3A_13, %get3A_14, %get3A_15] : memref<9x128x128xf32, #tpu.memory_space<vmem>>, vector<1x128x128xf32>
    %get3A_17 = vector.shape_cast %get3A_16 : vector<1x128x128xf32> to vector<128x128xf32>
    %dot_general3A_18 = arith.constant dense<0.000000e+00> : vector<1200x128xf32>
    %dot_general3A_19 = tpu.matmul %get3A_12, %get3A_17, %dot_general3A_18 {dimension_numbers = #tpu.dot_dimension_numbers<[1], [0], [0], [1], [0, 0, 1, 1], [], []>, transpose_lhs_hint = false} : vector<1200x128xf32>, vector<128x128xf32>, vector<1200x128xf32> -> vector<1200x128xf32>
    %add3A = arith.addf %dot_general3A_9, %dot_general3A_19 : vector<1200x128xf32>
    %get3A_20 = arith.constant 0 : index
    %get3A_21 = arith.constant 128 : index
    %get3A_22 = vector.load %arg2[%get3A_20, %get3A_21] : memref<1200x1024xf32, #tpu.memory_space<vmem>>, vector<1200x128xf32>
    %get3A_23 = arith.constant 1 : index
    %get3A_24 = arith.constant 0 : index
    %get3A_25 = arith.constant 0 : index
    %get3A_26 = vector.load %arg7[%get3A_23, %get3A_24, %get3A_25] : memref<9x128x128xf32, #tpu.memory_space<vmem>>, vector<1x128x128xf32>
    %get3A_27 = vector.shape_cast %get3A_26 : vector<1x128x128xf32> to vector<128x128xf32>
    %dot_general3A_28 = arith.constant dense<0.000000e+00> : vector<1200x128xf32>
    %dot_general3A_29 = tpu.matmul %get3A_22, %get3A_27, %dot_general3A_28 {dimension_numbers = #tpu.dot_dimension_numbers<[1], [0], [0], [1], [0, 0, 1, 1], [], []>, transpose_lhs_hint = false} : vector<1200x128xf32>, vector<128x128xf32>, vector<1200x128xf32> -> vector<1200x128xf32>
    %add3A_30 = arith.addf %add3A, %dot_general3A_29 : vector<1200x128xf32>
    %get3A_31 = arith.constant 0 : index
    %get3A_32 = arith.constant 256 : index
    %get3A_33 = vector.load %arg2[%get3A_31, %get3A_32] : memref<1200x1024xf32, #tpu.memory_space<vmem>>, vector<1200x128xf32>
    %get3A_34 = arith.constant 2 : index
    %get3A_35 = arith.constant 0 : index
    %get3A_36 = arith.constant 0 : index
    %get3A_37 = vector.load %arg7[%get3A_34, %get3A_35, %get3A_36] : memref<9x128x128xf32, #tpu.memory_space<vmem>>, vector<1x128x128xf32>
    %get3A_38 = vector.shape_cast %get3A_37 : vector<1x128x128xf32> to vector<128x128xf32>
    %dot_general3A_39 = arith.constant dense<0.000000e+00> : vector<1200x128xf32>
    %dot_general3A_40 = tpu.matmul %get3A_33, %get3A_38, %dot_general3A_39 {dimension_numbers = #tpu.dot_dimension_numbers<[1], [0], [0], [1], [0, 0, 1, 1], [], []>, transpose_lhs_hint = false} : vector<1200x128xf32>, vector<128x128xf32>, vector<1200x128xf32> -> vector<1200x128xf32>
    %add3A_41 = arith.addf %add3A_30, %dot_general3A_40 : vector<1200x128xf32>
    %get3A_42 = arith.constant 0 : index
    %get3A_43 = arith.constant 384 : index
    %get3A_44 = vector.load %arg2[%get3A_42, %get3A_43] : memref<1200x1024xf32, #tpu.memory_space<vmem>>, vector<1200x128xf32>
    %get3A_45 = arith.constant 3 : index
    %get3A_46 = arith.constant 0 : index
    %get3A_47 = arith.constant 0 : index
    %get3A_48 = vector.load %arg7[%get3A_45, %get3A_46, %get3A_47] : memref<9x128x128xf32, #tpu.memory_space<vmem>>, vector<1x128x128xf32>
    %get3A_49 = vector.shape_cast %get3A_48 : vector<1x128x128xf32> to vector<128x128xf32>
    %dot_general3A_50 = arith.constant dense<0.000000e+00> : vector<1200x128xf32>
    %dot_general3A_51 = tpu.matmul %get3A_44, %get3A_49, %dot_general3A_50 {dimension_numbers = #tpu.dot_dimension_numbers<[1], [0], [0], [1], [0, 0, 1, 1], [], []>, transpose_lhs_hint = false} : vector<1200x128xf32>, vector<128x128xf32>, vector<1200x128xf32> -> vector<1200x128xf32>
    %add3A_52 = arith.addf %add3A_41, %dot_general3A_51 : vector<1200x128xf32>
    %get3A_53 = arith.constant 0 : index
    %get3A_54 = arith.constant 512 : index
    %get3A_55 = vector.load %arg2[%get3A_53, %get3A_54] : memref<1200x1024xf32, #tpu.memory_space<vmem>>, vector<1200x128xf32>
    %get3A_56 = arith.constant 4 : index
    %get3A_57 = arith.constant 0 : index
    %get3A_58 = arith.constant 0 : index
    %get3A_59 = vector.load %arg7[%get3A_56, %get3A_57, %get3A_58] : memref<9x128x128xf32, #tpu.memory_space<vmem>>, vector<1x128x128xf32>
    %get3A_60 = vector.shape_cast %get3A_59 : vector<1x128x128xf32> to vector<128x128xf32>
    %dot_general3A_61 = arith.constant dense<0.000000e+00> : vector<1200x128xf32>
    %dot_general3A_62 = tpu.matmul %get3A_55, %get3A_60, %dot_general3A_61 {dimension_numbers = #tpu.dot_dimension_numbers<[1], [0], [0], [1], [0, 0, 1, 1], [], []>, transpose_lhs_hint = false} : vector<1200x128xf32>, vector<128x128xf32>, vector<1200x128xf32> -> vector<1200x128xf32>
    %add3A_63 = arith.addf %add3A_52, %dot_general3A_62 : vector<1200x128xf32>
    %get3A_64 = arith.constant 0 : index
    %get3A_65 = arith.constant 640 : index
    %get3A_66 = vector.load %arg2[%get3A_64, %get3A_65] : memref<1200x1024xf32, #tpu.memory_space<vmem>>, vector<1200x128xf32>
    %get3A_67 = arith.constant 5 : index
    %get3A_68 = arith.constant 0 : index
    %get3A_69 = arith.constant 0 : index
    %get3A_70 = vector.load %arg7[%get3A_67, %get3A_68, %get3A_69] : memref<9x128x128xf32, #tpu.memory_space<vmem>>, vector<1x128x128xf32>
    %get3A_71 = vector.shape_cast %get3A_70 : vector<1x128x128xf32> to vector<128x128xf32>
    %dot_general3A_72 = arith.constant dense<0.000000e+00> : vector<1200x128xf32>
    %dot_general3A_73 = tpu.matmul %get3A_66, %get3A_71, %dot_general3A_72 {dimension_numbers = #tpu.dot_dimension_numbers<[1], [0], [0], [1], [0, 0, 1, 1], [], []>, transpose_lhs_hint = false} : vector<1200x128xf32>, vector<128x128xf32>, vector<1200x128xf32> -> vector<1200x128xf32>
    %add3A_74 = arith.addf %add3A_63, %dot_general3A_73 : vector<1200x128xf32>
    %get3A_75 = arith.constant 0 : index
    %get3A_76 = arith.constant 768 : index
    %get3A_77 = vector.load %arg2[%get3A_75, %get3A_76] : memref<1200x1024xf32, #tpu.memory_space<vmem>>, vector<1200x128xf32>
    %get3A_78 = arith.constant 6 : index
    %get3A_79 = arith.constant 0 : index
    %get3A_80 = arith.constant 0 : index
    %get3A_81 = vector.load %arg7[%get3A_78, %get3A_79, %get3A_80] : memref<9x128x128xf32, #tpu.memory_space<vmem>>, vector<1x128x128xf32>
    %get3A_82 = vector.shape_cast %get3A_81 : vector<1x128x128xf32> to vector<128x128xf32>
    %dot_general3A_83 = arith.constant dense<0.000000e+00> : vector<1200x128xf32>
    %dot_general3A_84 = tpu.matmul %get3A_77, %get3A_82, %dot_general3A_83 {dimension_numbers = #tpu.dot_dimension_numbers<[1], [0], [0], [1], [0, 0, 1, 1], [], []>, transpose_lhs_hint = false} : vector<1200x128xf32>, vector<128x128xf32>, vector<1200x128xf32> -> vector<1200x128xf32>
    %add3A_85 = arith.addf %add3A_74, %dot_general3A_84 : vector<1200x128xf32>
    %get3A_86 = arith.constant 0 : index
    %get3A_87 = arith.constant 896 : index
    %get3A_88 = vector.load %arg2[%get3A_86, %get3A_87] : memref<1200x1024xf32, #tpu.memory_space<vmem>>, vector<1200x128xf32>
    %get3A_89 = arith.constant 7 : index
    %get3A_90 = arith.constant 0 : index
    %get3A_91 = arith.constant 0 : index
    %get3A_92 = vector.load %arg7[%get3A_89, %get3A_90, %get3A_91] : memref<9x128x128xf32, #tpu.memory_space<vmem>>, vector<1x128x128xf32>
    %get3A_93 = vector.shape_cast %get3A_92 : vector<1x128x128xf32> to vector<128x128xf32>
    %dot_general3A_94 = arith.constant dense<0.000000e+00> : vector<1200x128xf32>
    %dot_general3A_95 = tpu.matmul %get3A_88, %get3A_93, %dot_general3A_94 {dimension_numbers = #tpu.dot_dimension_numbers<[1], [0], [0], [1], [0, 0, 1, 1], [], []>, transpose_lhs_hint = false} : vector<1200x128xf32>, vector<128x128xf32>, vector<1200x128xf32> -> vector<1200x128xf32>
    %add3A_96 = arith.addf %add3A_85, %dot_general3A_95 : vector<1200x128xf32>
    %max3A = arith.constant 0.000000e+00 : f32
    %max3A_97 = vector.broadcast %max3A : f32 to vector<1200x128xf32>
    %max3A_98 = arith.maximumf %add3A_96, %max3A_97 : vector<1200x128xf32>
    %swap3A = arith.constant 0 : index
    %swap3A_99 = arith.constant 0 : index
    %swap3A_100 = vector.load %arg6[%swap3A, %swap3A_99] : memref<1200x128xf32, #tpu.memory_space<vmem>>, vector<1200x128xf32>
    tpu.vector_store %arg6[%swap3A, %swap3A_99], %max3A_98 {strides = array<i32>} : memref<1200x128xf32, #tpu.memory_space<vmem>>, vector<1200x128xf32>,
    return
  }
  func.func @transform_0(%arg0: i32) -> (i32, i32) {
    %c0_i32 = arith.constant 0 : i32
    %c0_i32_0 = arith.constant 0 : i32
    return %arg0, %c0_i32 : i32, i32
  }
  func.func @transform_1(%arg0: i32) -> (i32, i32) {
    %c0_i32 = arith.constant 0 : i32
    %c0_i32_0 = arith.constant 0 : i32
    return %arg0, %c0_i32 : i32, i32
  }
  func.func @transform_2(%arg0: i32) -> (i32, i32, i32) {
    %c0_i32 = arith.constant 0 : i32
    %c0_i32_0 = arith.constant 0 : i32
    %c0_i32_1 = arith.constant 0 : i32
    %c0_i32_2 = arith.constant 0 : i32
    return %c0_i32, %c0_i32_0, %c0_i32_1 : i32, i32, i32
  }
  func.func @transform_3(%arg0: i32) -> (i32, i32) {
    %c0_i32 = arith.constant 0 : i32
    %c0_i32_0 = arith.constant 0 : i32
    %c0_i32_1 = arith.constant 0 : i32
    return %c0_i32, %c0_i32_0 : i32, i32
  }
  func.func @transform_4(%arg0: i32) -> (i32, i32) {
    %c0_i32 = arith.constant 0 : i32
    %c0_i32_0 = arith.constant 0 : i32
    %c0_i32_1 = arith.constant 0 : i32
    return %c0_i32, %c0_i32_0 : i32, i32
  }
  func.func @transform_5(%arg0: i32) -> (i32, i32) {
    %c0_i32 = arith.constant 0 : i32
    %c0_i32_0 = arith.constant 0 : i32
    return %arg0, %c0_i32 : i32, i32
  }
}

</mosaic_0001>

<sc_bundles>
// kernel: kernel.5.cloned.1.call-start
scs
__scs_entry_jumppad:
0x0: {  	(pc) =	sbr.rel $0x88, $3  }
0x1: {  	(tag) =	ssettag $0x0;
	lr =	simm.s32 $0x1  }
0x2: {  	[smem:$0x3F9C] =	sst lr;
	_ =	strace $0xD0000000  }
0x3: {  	_ = 	snop  }
0x4: {  	_ = 	snop  }
0x5: {  	_ = 	snop  }
0x6: {  	_ = 	snop  }
0x7: {  	_ = 	snop  }
__scs_overlays_trampoline_lowered:
0x8: {  	[smem:$0x3FAB] =	sst s0  }
0x9: {  	[smem:$0x3FAC] =	sst s1  }
0xa: {  	[smem:$0x3FAD] =	sst s2  }
0xb: {  	[smem:$0x3FAE] =	sst s3  }
0xc: {  	[smem:$0x3FAF] =	sst s4  }
0xd: {  	[smem:$0x3FB0] =	sst s5  }
0xe: {  	[smem:$0x3FB1] =	sst s6  }
0xf: {  	[smem:$0x3FB2] =	sst s7  }
0x10: {  	[smem:$0x3FB3] =	sst s8  }
0x11: {  	[smem:$0x3FB4] =	sst s9;
	s0 =	simm.s32 @!p0 $0x0  }
0x12: {  	s1 =	sld [smem:$0x3F9A];
	s0 =	simm.s32 @p0 $0x1  }
0x13: {  	[smem:$0x3FB5] =	sst s0;
	s0 =	simm.s32 @!p1 $0x0  }
0x14: {  	s2 =	sld [smem:$0x3F99];
	s0 =	simm.s32 @p1 $0x1  }
0x15: {  	[smem:$0x3FB6] =	sst s0;
	s0 =	simm.s32 @!p2 $0x0  }
0x16: {  	s3 =	sld [smem:$0x3FDB];
	s0 =	simm.s32 @p2 $0x1  }
0x17: {  	s4 =	simm.s32 $0x1BF5;
	[smem:$0x3FB8] =	sst s0  }
0x18: {  	s0 =	sld [smem:$0x3F9B];
	_ =	swait.ge [sflag:s4], $0x0  }
0x19: {  	s7 =	sld [smem:$0x3F9C]  }
0x1a: {  	s8 =	sadd.s32 $0xFFFFE003, lr  }
0x1b: {  	s9 =	sadd.s32 $0xFFFFFEF7, lr;
	s5 =	simm.s32 $0xFFFFFFFF;
	p2 =	slt.u32 s8, $0xFFFFF086  }
0x1c: {  	p1 =	slt.u32 s9, $0xF7A;
	s5 =	simm.s32 @!p2 $0x0  }
0x1d: {  	s5 =	simm.s32 @p1 $0x1;
	p0 =	seq.s32 s7, s2  }
0x1e: {  	s7 =	smul.u32 @!p0 $0xF7A, s2;
	p2 =	seq.s32 @!p0 s5, $0x0  }
0x1f: {  	s9 =	smul.u32 $0xF7A, s1;
	s8 =	simm.s32 @!p0 $0x1BF5;
	p2 =	por !p2, p0  }
0x20: {  	[sflag:s8] =	ssyncset.s32 @!p0 $0xFFFFF086;
	s6 =	sadd.s32 @!p0 s3, s7;
	s7 =	simm.s32 @!p0 $0x108  }
0x21: {  	s3 =	sadd.s32 s3, s9;
	s6 =	sadd.s32 @!p0 $0x88, s6;
	s7 =	simm.s32 @p2 $0x1082  }
0x22: {  	[simem:s7], [sflag:s8] =	dma.local @!p0 [hbm:s6], $0xF7A  }
0x23: {  	s9 =	sor.u32 $0xD0000000, s2;
	s6 =	simm.s32 $0x108;
	_ =	swait.ge @!p0 [sflag:s8], $0x0  }
0x24: {  	s3 =	sadd.s32 $0x88, s3;
	s6 =	simm.s32 @!p1 $0x1082;
	[sflag:s4] =	ssyncset.s32 $0xFFFFF086  }
0x25: {  	[simem:s6], [sflag:s4] =	dma.local [hbm:s3], $0xF7A  }
0x26: {  	[smem:$0x3F9C] =	sst s1;
	(tag) =	ssettag s2;
	_ =	strace s9  }
0x27: {  	s1 =	sld [smem:$0x3FAC]  }
0x28: {  	s2 =	sld [smem:$0x3FAD]  }
0x29: {  	s4 =	sld [smem:$0x3FAF]  }
0x2a: {  	p0 =	seq.s32 s5, $0x0;
	s5 =	sld [smem:$0x3FB0]  }
0x2b: {  	s6 =	sld [smem:$0x3FB1]  }
0x2c: {  	s7 =	sld [smem:$0x3FB2]  }
0x2d: {  	s3 =	simm.s32 $0x108;
	s8 =	sld [smem:$0x3FB3]  }
0x2e: {  	s3 =	simm.s32 @!p0 $0x1082;
	s9 =	sld [smem:$0x3FB4]  }
0x2f: {  	lr =	sadd.s32 s0, s3;
	s0 =	sld [smem:$0x3FAB]  }
0x30: {  	s3 =	sld [smem:$0x3FAE]  }
0x31: {  	[smem:$0x3FB7] =	sst s10  }
0x32: {  	s10 =	sld [smem:$0x3FB5];
	_ =	sdelay $0x3  }
0x33: {  	p0 =	seq.s32 s10, $0x1;
	s10 =	sld [smem:$0x3FB7];
	_ =	sdelay $0x3  }
0x34: {  	[smem:$0x3FB7] =	sst s10  }
0x35: {  	s10 =	sld [smem:$0x3FB6];
	_ =	sdelay $0x3  }
0x36: {  	p1 =	seq.s32 s10, $0x1;
	s10 =	sld [smem:$0x3FB7];
	_ =	sdelay $0x3  }
0x37: {  	[smem:$0x3FB7] =	sst s10  }
0x38: {  	s10 =	sld [smem:$0x3FB8]  }
0x39: {  	_ = 	snop;
	(pc) =	sbr.ind lr, $3  }
0x3a: {  	_ = 	snop  }
0x3b: {  	_ = 	snop  }
0x3c: {  	p2 =	seq.s32 s10, $0x1;
	s10 =	sld [smem:$0x3FB7]  }
0x3d: {  	_ =	shalt  }
0x3e: {  	_ =	shalt  }
0x3f: {  	_ =	shalt  }
0x40: {  	_ =	shalt  }
0x41: {  	_ =	shalt  }
0x42: {  	_ =	shalt  }
0x43: {  	_ =	shalt  }
0x44: {  	_ =	shalt  }
0x45: {  	_ =	shalt  }
0x46: {  	_ =	shalt  }
0x47: {  	_ =	shalt  }
0x48: {  	_ =	shalt  }
0x49: {  	_ =	shalt  }
0x4a: {  	_ =	shalt  }
0x4b: {  	_ =	shalt  }
0x4c: {  	_ =	shalt  }
0x4d: {  	_ =	shalt  }
0x4e: {  	_ =	shalt  }
0x4f: {  	_ =	shalt  }
0x50: {  	_ =	shalt  }
0x51: {  	_ =	shalt  }
0x52: {  	_ =	shalt  }
0x53: {  	_ =	shalt  }
0x54: {  	_ =	shalt  }
0x55: {  	_ =	shalt  }
0x56: {  	_ =	shalt  }
0x57: {  	_ =	shalt  }
0x58: {  	_ =	shalt  }
0x59: {  	_ =	shalt  }
0x5a: {  	_ =	shalt  }
0x5b: {  	_ =	shalt  }
0x5c: {  	_ =	shalt  }
0x5d: {  	_ =	shalt  }
0x5e: {  	_ =	shalt  }
0x5f: {  	_ =	shalt  }
0x60: {  	_ =	shalt  }
0x61: {  	_ =	shalt  }
0x62: {  	_ =	shalt  }
0x63: {  	_ =	shalt  }
0x64: {  	_ =	shalt  }
0x65: {  	_ =	shalt  }
0x66: {  	_ =	shalt  }
0x67: {  	_ =	shalt  }
0x68: {  	_ =	shalt  }
0x69: {  	_ =	shalt  }
0x6a: {  	_ =	shalt  }
0x6b: {  	_ =	shalt  }
0x6c: {  	_ =	shalt  }
0x6d: {  	_ =	shalt  }
0x6e: {  	_ =	shalt  }
0x6f: {  	_ =	shalt  }
0x70: {  	_ =	shalt  }
0x71: {  	_ =	shalt  }
0x72: {  	_ =	shalt  }
0x73: {  	_ =	shalt  }
0x74: {  	_ =	shalt  }
0x75: {  	_ =	shalt  }
0x76: {  	_ =	shalt  }
0x77: {  	_ =	shalt  }
0x78: {  	_ =	shalt  }
0x79: {  	_ =	shalt  }
0x7a: {  	_ =	shalt  }
0x7b: {  	_ =	shalt  }
0x7c: {  	_ =	shalt  }
0x7d: {  	_ =	shalt  }
0x7e: {  	_ =	shalt  }
0x7f: {  	_ =	shalt  }
0x80: {  	_ =	shalt  }
0x81: {  	_ =	shalt  }
0x82: {  	_ =	shalt  }
0x83: {  	_ =	shalt  }
0x84: {  	_ =	shalt  }
0x85: {  	_ =	shalt  }
0x86: {  	_ =	shalt  }
0x87: {  	_ =	shalt  }
.Lfunc_end0:
.L_simem_size_0:
called_computation_lowered:
.L_overlay_start_0:
0x88: {  	s2 =	sld [smem:$0x3FD9]  }
0x89: {  	s3 =	sld [smem:$0x3FFE];
	_ =	sdelay $0x1  }
0x8a: {  	s1 =	srdreg.scid  }
0x8b: {  	s0 =	sand.u32 $0x1, s1  }
0x8c: {  	s16 =	sshll.u32 s0, $0xA;
	s2 =	sadd.s32 s3, s2  }
0x8d: {  	s2 =	sadd.s32 s2, s16  }
0x8e: {  	[smem:$0x3FC3] =	sst s2  }
0x8f: {  	_ = 	snop  }
0x90: {  	(tm) =	ssettm $0x1  }
0x91: {  	s17 =	sld [smem:$0x3FFB];
	_ =	sdelay $0x3  }
0x92: {  	_ =	strace s17  }
0x93: {  	s2 =	sld [smem:$0x3FFC];
	_ =	sdelay $0x3  }
0x94: {  	_ =	strace s2  }
0x95: {  	s2 =	sld [smem:$0x3FFD];
	_ =	sdelay $0x3  }
0x96: {  	_ =	strace s2  }
0x97: {  	_ =	strace $0x8FFFFFFF  }
0x98: {  	s18 =	sld [smem:$0x3FDB];
	_ =	sdelay $0x1  }
0x99: {  	s19 =	simm.s32 $_scs_section_size  }
0x9a: {  	s4 =	simm.s32 $_size__tile_overlayer_lowered;
	s5 =	simm.s32 $_tile_overlayer_lowered  }
0x9b: {  	s22 =	simm.s32 $0x1BFF;
	s21 =	sshll.u32 s5, $0x1;
	s2 =	sadd.s32 s19, s18  }
0x9c: {  	s6 =	simm.s32 $0x0;
	s20 =	sshll.u32 s4, $0x1;
	s4 =	sadd.s32 s21, s2  }
0x9d: {  	[timem:s6], [sflag:s22] =	dma.local [hbm:s4], s20  }
0x9e: {  	_ =	swait.ge [sflag:s22], s20  }
0x9f: {  	s3 =	ssub.s32 $0x0, s20;
	[sflag:s22] =	ssyncset.done $0x0  }
0xa0: {  	[sflag:s22] =	ssyncadd.s32 s3;
	_ =	sdelay $0x1  }
0xa1: {  	s23 =	simm.s32 $0x1B8B  }
0xa2: {  	_ =	swait.ge [sflag:s23], $0x1  }
0xa3: {  	[sflag:s23] =	ssyncset.done $0x0  }
0xa4: {  	s25 =	simm.s32 $0x1B8E;
	s24 =	sld [smem:$0x3FFE];
	[sflag:s23] =	ssyncadd.s32 $0xFFFFFFFF  }
0xa5: {  	s26 =	simm.s32 $execute0_lowered;
	[smem:$0x3FD2] =	sst s25  }
0xa6: {  	s4 =	sshll.u32 s26, $0x1;
	_ =	strace $0x80000046;
	[dreg:$0x1] =	wrdreg $0xFFFFFFFF  }
0xa7: {  	s28 =	simm.s32 $_size_execute0_lowered;
	s2 =	sadd.s32 s2, s4;
	[dreg:$0x0] =	wrdreg $0x0  }
0xa8: {  	s4 =	sshll.u32 s28, $0x1;
	[dreg:$0x2] =	wrdreg s2  }
0xa9: {  	[dreg:$0x3] =	wrdreg s4  }
0xaa: {  	[dreg:$0x4] =	wrdreg $0xC0  }
0xab: {  	_ =	task [dreg:s6], $0x5FFFF  }
0xac: {  	[dreg:$0x1] =	wrdreg $0xFFFFFFFF  }
0xad: {  	[dreg:$0x0] =	wrdreg $0x60  }
0xae: {  	[dreg:$0x2] =	wrdreg s24  }
0xaf: {  	[dreg:$0x3] =	wrdreg $0x9  }
0xb0: {  	_ =	task.clear_ibuf [dreg:s6], $0x4FFFF;
	_ =	strace $0x90000046  }
0xb1: {  	s29 =	simm.s32 $0x9;
	_ =	strace $0x80000048  }
0xb2: {  	_ =	swait.ge [sflag:s29], $0x1  }
0xb3: {  	[sflag:s29] =	ssyncadd.s32 $0xFFFFFFFF  }
0xb4: {  	_ =	strace $0x90000048  }
0xb5: {  	_ =	sfence  }
0xb6: {  	s30 =	sld [smem:$0x0];
	_ =	sdelay $0x2  }
0xb7: {  	s31 =	sshll.u32 s1, $0xD;
	s1 =	sshrl.u32 s1, $0x2  }
0xb8: {  	s3 =	sand.u32 $0x4000, s31;
	s1 =	sadd.s32 s1, s30  }
0xb9: {  	s0 =	sor.u32 s3, s0;
	s1 =	sshll.u32 s1, $0x11  }
0xba: {  	s0 =	sor.u32 s1, s0  }
0xbb: {  	s0 =	sadd.s32 $0x8F2B, s0  }
0xbc: {  	[sflag:s0] =	ssyncadd.remote.s32 $0x1  }
0xbd: {  	_ =	sfence.sel $0xFFFF  }
0xbe: {  	[dreg:$0x0] =	wrdreg $0xFFFFFFFF;
	(pc) =	sbr.abs _section_cstart, $3  }
0xbf: {  	[dreg:$0x1] =	wrdreg $0xFFFFFFFF  }
0xc0: {  	_ =	task.clear_ibuf [dreg:s6], $0x2FFFF;
	_ =	strace $0x9FFFFFFF  }
0xc1: {  	(tm) =	ssettm $0x7FFFFFFF  }
tec
execute0_lowered:
.L_overlay_start_1:
0x0: {  	(tag) =	ssettag $0x1  }
0x1: {  	s4 =	rddreg [dreg:$0x0]  }
0x2: {  	s0 =	rddreg [dreg:$0x1];
	s1 =	simm.s32 $0x0;
	s2 =	srdreg.scid  }
0x3: {  	s9 =	simm.s32 $0x1;
	s10 =	simm.s32 $0x0;
	[smem:$0x7FF] =	sst s1  }
.Ltmp0:
0x4: {  	s5 =	sand.u32 $0x1, s2;
	s2 =	stileid.u32;
	(pc) =	sbr.rel .LBB2_1-.Ltmp0, $4  }
0x5: {  	s3 =	sadd.s32 $0x1000, s4;
	s4 =	sadd.s32 $0x9C5000, s4;
	s6 =	ssub.s32 $0x2, s5  }
0x6: {  	_ =	strace $0x80000047;
	s8 =	sshll.u32 s2, $0x1;
	s7 =	sshrl.u32 s6, $0x1  }
0x7: {  	s5 =	sor.u32 s5, s8;
	s8 =	simm.s32 $0x14000;
	s6 =	ssub.s32 s6, s7  }
0x8: {  	s5 =	sadd.s32 $0x370, s5;
	s7 =	simm.s32 $0x2;
	s6 =	smax.u32 s6, $0x1  }
.LBB2_7:
0x9: {  	s10 =	sadd.s32 $0x1, s10  }
0xa: {  	p0 =	sne.s32 s10, s6  }
.Ltmp1:
0xb: {  	_ = 	snop;
	(pc) =	sbr.rel @!p0 .LBB2_8-.Ltmp1, $1  }
0xc: {  	_ =	sdelay $0x3  }
.LBB2_1:
.Ltmp2:
0xd: {  	(pc) =	sbr.rel .LBB2_2-.Ltmp2, $2  }
0xe: {  	_ =	sdelay $0x2  }
0xf: {  	s11 =	simm.s32 $0x0  }
.LBB2_6:
0x10: {  	s11 =	sadd.s32 $0x1, s11  }
0x11: {  	p0 =	sne.s32 s11, $0x4  }
.Ltmp3:
0x12: {  	_ = 	snop;
	(pc) =	sbr.rel @!p0 .LBB2_7-.Ltmp3, $1  }
0x13: {  	_ =	sdelay $0x3  }
.LBB2_2:
0x14: {  	s12 =	sshll.u32 s11, $0x5  }
0x15: {  	s12 =	sadd.s32 s12, s5  }
0x16: {  	p0 =	sgt.u32 s12, $0x3E7  }
.Ltmp4:
0x17: {  	_ = 	snop;
	(pc) =	sbr.rel @p0 .LBB2_6-.Ltmp4, $1  }
0x18: {  	_ =	sdelay $0x3  }
0x19: {  	s13 =	smul.u32 $0x2800, s12;
	_ =	sdelay $0x1  }
0x1a: {  	s14 =	sadd.s32 s3, s13;
	s13 =	simm.s32 $0x0  }
0x1b: {  	[tilespmem:s13], [sflag:$0x2] =	stream.linear.gather [hbm4b:s14+s13], $0x14000, $0x38;
	[tilespmem:$0x16800] =	vst v63  }
0x1c: {  	_ =	swait.ge [sflag:s7], $0x14000  }
0x1d: {  	s23 =	sand.u32 $0x1E000, s13;
	s15 =	sand.u32 $0x380, s13;
	[sflag:s7] =	ssyncset.done $0x0  }
0x1e: {  	s15 =	sor.u32 s15, s23;
	[sflag:s7] =	ssyncadd.s32 $0xFFFEC000  }
0x1f: {  	v0 =	vld [tilespmem:s15+$0x0]  }
0x20: {  	v1 =	vld [tilespmem:s15+$0x400];
	_ =	sdelay $0x1  }
0x21: {  	v2 =	vld [tilespmem:s15+$0x800];
	_ =	sdelay $0x1  }
0x22: {  	v3 =	vld [tilespmem:s15+$0xC00]  }
0x23: {  	v0 =	vadd.f32 v1, v0  }
0x24: {  	v1 =	vld [tilespmem:s15+$0x1000]  }
0x25: {  	v0 =	vadd.f32 v2, v0  }
0x26: {  	s24 =	sand.u32 $0x7, s13;
	v2 =	vld [tilespmem:s15+$0x1400]  }
0x27: {  	s14 =	sshll.u32 s24, $0x7;
	v0 =	vadd.f32 v3, v0  }
0x28: {  	s16 =	sadd.s32 $0x0, s14;
	v3 =	vld [tilespmem:s15+$0x1800]  }
0x29: {  	s14 =	sor.u32 $0x1C00, s16;
	v0 =	vadd.f32 v1, v0  }
0x2a: {  	v1 =	vld [tilespmem:s14+$0x0]  }
0x2b: {  	v0 =	vadd.f32 v2, v0;
	_ =	sdelay $0x1  }
0x2c: {  	v0 =	vadd.f32 v3, v0;
	_ =	sdelay $0x1  }
0x2d: {  	v0 =	vadd.f32 v1, v0  }
0x2e: {  	s14 =	simm.s32 $0x14040  }
0x2f: {  	[tilespmem:s14+$0xFFFFFFC0] =	vst v0  }
0x30: {  	v0 =	vld [tilespmem:s15+$0x10]  }
0x31: {  	v1 =	vld [tilespmem:s15+$0x410];
	_ =	sdelay $0x1  }
0x32: {  	v2 =	vld [tilespmem:s15+$0x810];
	_ =	sdelay $0x1  }
0x33: {  	v3 =	vld [tilespmem:s15+$0xC10]  }
0x34: {  	v0 =	vadd.f32 v1, v0  }
0x35: {  	v1 =	vld [tilespmem:s15+$0x1010]  }
0x36: {  	v0 =	vadd.f32 v2, v0  }
0x37: {  	v2 =	vld [tilespmem:s15+$0x1410]  }
0x38: {  	v0 =	vadd.f32 v3, v0  }
0x39: {  	v3 =	vld [tilespmem:s15+$0x1810]  }
0x3a: {  	s17 =	sor.u32 $0x1C10, s16;
	v0 =	vadd.f32 v1, v0  }
0x3b: {  	v1 =	vld [tilespmem:s17+$0x0]  }
0x3c: {  	v0 =	vadd.f32 v2, v0;
	_ =	sdelay $0x1  }
0x3d: {  	v0 =	vadd.f32 v3, v0;
	_ =	sdelay $0x1  }
0x3e: {  	v0 =	vadd.f32 v1, v0;
	_ =	sdelay $0x1  }
0x3f: {  	[tilespmem:s14+$0xFFFFFFD0] =	vst v0  }
0x40: {  	v0 =	vld [tilespmem:s15+$0x20]  }
0x41: {  	v1 =	vld [tilespmem:s15+$0x420];
	_ =	sdelay $0x1  }
0x42: {  	v2 =	vld [tilespmem:s15+$0x820];
	_ =	sdelay $0x1  }
0x43: {  	v3 =	vld [tilespmem:s15+$0xC20]  }
0x44: {  	v0 =	vadd.f32 v1, v0  }
0x45: {  	v1 =	vld [tilespmem:s15+$0x1020]  }
0x46: {  	v0 =	vadd.f32 v2, v0  }
0x47: {  	v2 =	vld [tilespmem:s15+$0x1420]  }
0x48: {  	v0 =	vadd.f32 v3, v0  }
0x49: {  	v3 =	vld [tilespmem:s15+$0x1820]  }
0x4a: {  	s25 =	sor.u32 $0x1C20, s16;
	v0 =	vadd.f32 v1, v0  }
0x4b: {  	v1 =	vld [tilespmem:s25+$0x0]  }
0x4c: {  	v0 =	vadd.f32 v2, v0;
	_ =	sdelay $0x1  }
0x4d: {  	v0 =	vadd.f32 v3, v0;
	_ =	sdelay $0x1  }
0x4e: {  	v0 =	vadd.f32 v1, v0;
	_ =	sdelay $0x1  }
0x4f: {  	[tilespmem:s14+$0xFFFFFFE0] =	vst v0  }
0x50: {  	v0 =	vld [tilespmem:s15+$0x30]  }
0x51: {  	v1 =	vld [tilespmem:s15+$0x430];
	_ =	sdelay $0x1  }
0x52: {  	v2 =	vld [tilespmem:s15+$0x830];
	_ =	sdelay $0x1  }
0x53: {  	v3 =	vld [tilespmem:s15+$0xC30]  }
0x54: {  	v0 =	vadd.f32 v1, v0  }
0x55: {  	v1 =	vld [tilespmem:s15+$0x1030]  }
0x56: {  	v0 =	vadd.f32 v2, v0  }
0x57: {  	v2 =	vld [tilespmem:s15+$0x1430]  }
0x58: {  	v0 =	vadd.f32 v3, v0  }
0x59: {  	v3 =	vld [tilespmem:s15+$0x1830]  }
0x5a: {  	s26 =	sor.u32 $0x1C30, s16;
	v0 =	vadd.f32 v1, v0  }
0x5b: {  	v1 =	vld [tilespmem:s26+$0x0]  }
0x5c: {  	v0 =	vadd.f32 v2, v0;
	_ =	sdelay $0x1  }
0x5d: {  	v0 =	vadd.f32 v3, v0;
	_ =	sdelay $0x1  }
0x5e: {  	v0 =	vadd.f32 v1, v0;
	_ =	sdelay $0x1  }
0x5f: {  	[tilespmem:s14+$0xFFFFFFF0] =	vst v0  }
0x60: {  	v0 =	vld [tilespmem:s15+$0x40]  }
0x61: {  	v1 =	vld [tilespmem:s15+$0x440];
	_ =	sdelay $0x1  }
0x62: {  	v2 =	vld [tilespmem:s15+$0x840];
	_ =	sdelay $0x1  }
0x63: {  	v3 =	vld [tilespmem:s15+$0xC40]  }
0x64: {  	v0 =	vadd.f32 v1, v0  }
0x65: {  	v1 =	vld [tilespmem:s15+$0x1040]  }
0x66: {  	v0 =	vadd.f32 v2, v0  }
0x67: {  	v2 =	vld [tilespmem:s15+$0x1440]  }
0x68: {  	v0 =	vadd.f32 v3, v0  }
0x69: {  	v3 =	vld [tilespmem:s15+$0x1840]  }
0x6a: {  	s28 =	sor.u32 $0x1C40, s16;
	v0 =	vadd.f32 v1, v0  }
0x6b: {  	v1 =	vld [tilespmem:s28+$0x0]  }
0x6c: {  	v0 =	vadd.f32 v2, v0;
	_ =	sdelay $0x1  }
0x6d: {  	v0 =	vadd.f32 v3, v0;
	_ =	sdelay $0x1  }
0x6e: {  	v0 =	vadd.f32 v1, v0;
	_ =	sdelay $0x1  }
0x6f: {  	[tilespmem:s14+$0x0] =	vst v0  }
0x70: {  	v0 =	vld [tilespmem:s15+$0x50]  }
0x71: {  	v1 =	vld [tilespmem:s15+$0x450];
	_ =	sdelay $0x1  }
0x72: {  	v2 =	vld [tilespmem:s15+$0x850];
	_ =	sdelay $0x1  }
0x73: {  	v3 =	vld [tilespmem:s15+$0xC50]  }
0x74: {  	v0 =	vadd.f32 v1, v0  }
0x75: {  	v1 =	vld [tilespmem:s15+$0x1050]  }
0x76: {  	v0 =	vadd.f32 v2, v0  }
0x77: {  	v2 =	vld [tilespmem:s15+$0x1450]  }
0x78: {  	v0 =	vadd.f32 v3, v0  }
0x79: {  	v3 =	vld [tilespmem:s15+$0x1850]  }
0x7a: {  	s29 =	sor.u32 $0x1C50, s16;
	v0 =	vadd.f32 v1, v0  }
0x7b: {  	v1 =	vld [tilespmem:s29+$0x0]  }
0x7c: {  	v0 =	vadd.f32 v2, v0;
	_ =	sdelay $0x1  }
0x7d: {  	v0 =	vadd.f32 v3, v0;
	_ =	sdelay $0x1  }
0x7e: {  	v0 =	vadd.f32 v1, v0;
	_ =	sdelay $0x1  }
0x7f: {  	[tilespmem:s14+$0x10] =	vst v0  }
0x80: {  	v0 =	vld [tilespmem:s15+$0x60]  }
0x81: {  	v1 =	vld [tilespmem:s15+$0x460];
	_ =	sdelay $0x1  }
0x82: {  	v2 =	vld [tilespmem:s15+$0x860];
	_ =	sdelay $0x1  }
0x83: {  	v3 =	vld [tilespmem:s15+$0xC60]  }
0x84: {  	v0 =	vadd.f32 v1, v0  }
0x85: {  	v1 =	vld [tilespmem:s15+$0x1060]  }
0x86: {  	v0 =	vadd.f32 v2, v0  }
0x87: {  	v2 =	vld [tilespmem:s15+$0x1460]  }
0x88: {  	v0 =	vadd.f32 v3, v0  }
0x89: {  	v3 =	vld [tilespmem:s15+$0x1860]  }
0x8a: {  	s30 =	sor.u32 $0x1C60, s16;
	v0 =	vadd.f32 v1, v0  }
0x8b: {  	v1 =	vld [tilespmem:s30+$0x0]  }
0x8c: {  	v0 =	vadd.f32 v2, v0;
	_ =	sdelay $0x1  }
0x8d: {  	v0 =	vadd.f32 v3, v0;
	_ =	sdelay $0x1  }
0x8e: {  	v0 =	vadd.f32 v1, v0;
	_ =	sdelay $0x1  }
0x8f: {  	[tilespmem:s14+$0x20] =	vst v0  }
0x90: {  	v0 =	vld [tilespmem:s15+$0x70]  }
0x91: {  	v1 =	vld [tilespmem:s15+$0x470];
	_ =	sdelay $0x1  }
0x92: {  	v2 =	vld [tilespmem:s15+$0x870];
	_ =	sdelay $0x1  }
0x93: {  	v4 =	vld [tilespmem:s15+$0xC70]  }
0x94: {  	v1 =	vadd.f32 v1, v0  }
0x95: {  	v3 =	vld [tilespmem:s15+$0x1070]  }
0x96: {  	v0 =	vld [tilespmem:s15+$0x1470];
	v5 =	vadd.f32 v2, v1  }
0x97: {  	s31 =	sor.u32 $0x1C70, s16;
	v1 =	vld [tilespmem:s15+$0x1870]  }
0x98: {  	s16 =	simm.s32 $0x400;
	s17 =	simm.s32 $0x0;
	v2 =	vld [tilespmem:s31+$0x0];
	s15 =	simm.s32 $0x14040;
	v4 =	vadd.f32 v4, v5  }
.LBB2_4:
0x99: {  	s13 =	sadd.s32 $0x1, s13;
	s17 =	sadd.s32 $0x80, s17;
	s14 =	sadd.s32 $0x80, s14  }
0x9a: {  	p0 =	sne.s32 s16, $0x13C00;
	s19 =	smov.u32 s16;
	s16 =	sadd.s32 $0x400, s16;
	v3 =	vadd.f32 v3, v4  }
0x9b: {  	_ = 	snop  }
0x9c: {  	v0 =	vadd.f32 v0, v3;
	_ =	sdelay $0x1  }
0x9d: {  	v0 =	vadd.f32 v1, v0;
	_ =	sdelay $0x1  }
0x9e: {  	s18 =	sand.u32 $0x1E000, s19;
	s20 =	sand.u32 $0x380, s17;
	v0 =	vadd.f32 v2, v0  }
0x9f: {  	s18 =	sor.u32 s20, s18  }
0xa0: {  	[tilespmem:s15+$0x30] =	vst v0;
	s15 =	smov.u32 s14  }
0xa1: {  	v0 =	vld [tilespmem:s18+$0x0]  }
0xa2: {  	v1 =	vld [tilespmem:s18+$0x400]  }
0xa3: {  	v2 =	vld [tilespmem:s18+$0x800];
	_ =	sdelay $0x1  }
0xa4: {  	v3 =	vld [tilespmem:s18+$0xC00];
	_ =	sdelay $0x1  }
0xa5: {  	v0 =	vadd.f32 v1, v0  }
0xa6: {  	v1 =	vld [tilespmem:s18+$0x1000]  }
0xa7: {  	v0 =	vadd.f32 v2, v0  }
0xa8: {  	s20 =	sand.u32 $0x7, s13;
	v2 =	vld [tilespmem:s18+$0x1400]  }
0xa9: {  	s20 =	sshll.u32 s20, $0x7;
	v0 =	vadd.f32 v3, v0  }
0xaa: {  	s19 =	sadd.s32 s20, s19;
	v3 =	vld [tilespmem:s18+$0x1800]  }
0xab: {  	s20 =	sor.u32 $0x1C00, s19;
	v0 =	vadd.f32 v1, v0  }
0xac: {  	v1 =	vld [tilespmem:s20+$0x0]  }
0xad: {  	v0 =	vadd.f32 v2, v0;
	_ =	sdelay $0x1  }
0xae: {  	v0 =	vadd.f32 v3, v0;
	_ =	sdelay $0x1  }
0xaf: {  	v0 =	vadd.f32 v1, v0;
	_ =	sdelay $0x1  }
0xb0: {  	[tilespmem:s14+$0xFFFFFFC0] =	vst v0  }
0xb1: {  	v0 =	vld [tilespmem:s18+$0x10]  }
0xb2: {  	v1 =	vld [tilespmem:s18+$0x410];
	_ =	sdelay $0x1  }
0xb3: {  	v2 =	vld [tilespmem:s18+$0x810];
	_ =	sdelay $0x1  }
0xb4: {  	v3 =	vld [tilespmem:s18+$0xC10]  }
0xb5: {  	v0 =	vadd.f32 v1, v0  }
0xb6: {  	v1 =	vld [tilespmem:s18+$0x1010]  }
0xb7: {  	v0 =	vadd.f32 v2, v0  }
0xb8: {  	v2 =	vld [tilespmem:s18+$0x1410]  }
0xb9: {  	v0 =	vadd.f32 v3, v0  }
0xba: {  	v3 =	vld [tilespmem:s18+$0x1810]  }
0xbb: {  	s20 =	sor.u32 $0x1C10, s19;
	v0 =	vadd.f32 v1, v0  }
0xbc: {  	v1 =	vld [tilespmem:s20+$0x0]  }
0xbd: {  	v0 =	vadd.f32 v2, v0;
	_ =	sdelay $0x1  }
0xbe: {  	v0 =	vadd.f32 v3, v0;
	_ =	sdelay $0x1  }
0xbf: {  	v0 =	vadd.f32 v1, v0;
	_ =	sdelay $0x1  }
0xc0: {  	[tilespmem:s14+$0xFFFFFFD0] =	vst v0  }
0xc1: {  	v0 =	vld [tilespmem:s18+$0x20]  }
0xc2: {  	v1 =	vld [tilespmem:s18+$0x420];
	_ =	sdelay $0x1  }
0xc3: {  	v2 =	vld [tilespmem:s18+$0x820];
	_ =	sdelay $0x1  }
0xc4: {  	v3 =	vld [tilespmem:s18+$0xC20]  }
0xc5: {  	v0 =	vadd.f32 v1, v0  }
0xc6: {  	v1 =	vld [tilespmem:s18+$0x1020]  }
0xc7: {  	v0 =	vadd.f32 v2, v0  }
0xc8: {  	v2 =	vld [tilespmem:s18+$0x1420]  }
0xc9: {  	v0 =	vadd.f32 v3, v0  }
0xca: {  	v3 =	vld [tilespmem:s18+$0x1820]  }
0xcb: {  	s20 =	sor.u32 $0x1C20, s19;
	v0 =	vadd.f32 v1, v0  }
0xcc: {  	v1 =	vld [tilespmem:s20+$0x0]  }
0xcd: {  	v0 =	vadd.f32 v2, v0;
	_ =	sdelay $0x1  }
0xce: {  	v0 =	vadd.f32 v3, v0;
	_ =	sdelay $0x1  }
0xcf: {  	v0 =	vadd.f32 v1, v0;
	_ =	sdelay $0x1  }
0xd0: {  	[tilespmem:s14+$0xFFFFFFE0] =	vst v0  }
0xd1: {  	v0 =	vld [tilespmem:s18+$0x30]  }
0xd2: {  	v1 =	vld [tilespmem:s18+$0x430];
	_ =	sdelay $0x1  }
0xd3: {  	v2 =	vld [tilespmem:s18+$0x830];
	_ =	sdelay $0x1  }
0xd4: {  	v3 =	vld [tilespmem:s18+$0xC30]  }
0xd5: {  	v0 =	vadd.f32 v1, v0  }
0xd6: {  	v1 =	vld [tilespmem:s18+$0x1030]  }
0xd7: {  	v0 =	vadd.f32 v2, v0  }
0xd8: {  	v2 =	vld [tilespmem:s18+$0x1430]  }
0xd9: {  	v0 =	vadd.f32 v3, v0  }
0xda: {  	v3 =	vld [tilespmem:s18+$0x1830]  }
0xdb: {  	s20 =	sor.u32 $0x1C30, s19;
	v0 =	vadd.f32 v1, v0  }
0xdc: {  	v1 =	vld [tilespmem:s20+$0x0]  }
0xdd: {  	v0 =	vadd.f32 v2, v0;
	_ =	sdelay $0x1  }
0xde: {  	v0 =	vadd.f32 v3, v0;
	_ =	sdelay $0x1  }
0xdf: {  	v0 =	vadd.f32 v1, v0;
	_ =	sdelay $0x1  }
0xe0: {  	[tilespmem:s14+$0xFFFFFFF0] =	vst v0  }
0xe1: {  	v0 =	vld [tilespmem:s18+$0x40]  }
0xe2: {  	v1 =	vld [tilespmem:s18+$0x440]  }
0xe3: {  	v2 =	vld [tilespmem:s18+$0x840];
	_ =	sdelay $0x2  }
0xe4: {  	v3 =	vld [tilespmem:s18+$0xC40]  }
0xe5: {  	v0 =	vadd.f32 v1, v0  }
0xe6: {  	v1 =	vld [tilespmem:s18+$0x1040]  }
0xe7: {  	v0 =	vadd.f32 v2, v0  }
0xe8: {  	v2 =	vld [tilespmem:s18+$0x1440]  }
0xe9: {  	v0 =	vadd.f32 v3, v0  }
0xea: {  	v3 =	vld [tilespmem:s18+$0x1840]  }
0xeb: {  	s20 =	sor.u32 $0x1C40, s19;
	v0 =	vadd.f32 v1, v0  }
0xec: {  	v1 =	vld [tilespmem:s20+$0x0]  }
0xed: {  	v0 =	vadd.f32 v2, v0;
	_ =	sdelay $0x1  }
0xee: {  	v0 =	vadd.f32 v3, v0;
	_ =	sdelay $0x1  }
0xef: {  	v0 =	vadd.f32 v1, v0;
	_ =	sdelay $0x1  }
0xf0: {  	[tilespmem:s14+$0x0] =	vst v0  }
0xf1: {  	v0 =	vld [tilespmem:s18+$0x50]  }
0xf2: {  	v1 =	vld [tilespmem:s18+$0x450]  }
0xf3: {  	v2 =	vld [tilespmem:s18+$0xC50]  }
0xf4: {  	v3 =	vld [tilespmem:s18+$0x850]  }
0xf5: {  	v4 =	vld [tilespmem:s18+$0x1050]  }
0xf6: {  	v5 =	vld [tilespmem:s18+$0x1450]  }
0xf7: {  	s20 =	sor.u32 $0x1C50, s19;
	v0 =	vadd.f32 v1, v0;
	v1 =	vld [tilespmem:s18+$0x1850]  }
0xf8: {  	v6 =	vld [tilespmem:s20+$0x0]  }
0xf9: {  	v0 =	vadd.f32 v3, v0;
	_ =	sdelay $0x1  }
0xfa: {  	v0 =	vadd.f32 v2, v0;
	_ =	sdelay $0x1  }
0xfb: {  	v0 =	vadd.f32 v4, v0;
	_ =	sdelay $0x1  }
0xfc: {  	v0 =	vadd.f32 v5, v0;
	_ =	sdelay $0x1  }
0xfd: {  	v0 =	vadd.f32 v1, v0;
	_ =	sdelay $0x1  }
0xfe: {  	v0 =	vadd.f32 v6, v0;
	_ =	sdelay $0x1  }
0xff: {  	[tilespmem:s14+$0x10] =	vst v0  }
0x100: {  	v0 =	vld [tilespmem:s18+$0x60]  }
0x101: {  	v1 =	vld [tilespmem:s18+$0x460]  }
0x102: {  	v2 =	vld [tilespmem:s18+$0x860]  }
0x103: {  	v3 =	vld [tilespmem:s18+$0xC60]  }
0x104: {  	v4 =	vld [tilespmem:s18+$0x1060]  }
0x105: {  	v5 =	vld [tilespmem:s18+$0x1460]  }
0x106: {  	s20 =	sor.u32 $0x1C60, s19;
	v0 =	vadd.f32 v1, v0;
	v1 =	vld [tilespmem:s18+$0x1860]  }
0x107: {  	v6 =	vld [tilespmem:s20+$0x0]  }
0x108: {  	v0 =	vadd.f32 v2, v0;
	_ =	sdelay $0x1  }
0x109: {  	v0 =	vadd.f32 v3, v0;
	_ =	sdelay $0x1  }
0x10a: {  	v0 =	vadd.f32 v4, v0;
	_ =	sdelay $0x1  }
0x10b: {  	v0 =	vadd.f32 v5, v0;
	_ =	sdelay $0x1  }
0x10c: {  	v0 =	vadd.f32 v1, v0;
	_ =	sdelay $0x1  }
0x10d: {  	v0 =	vadd.f32 v6, v0;
	_ =	sdelay $0x1  }
0x10e: {  	[tilespmem:s14+$0x20] =	vst v0  }
0x10f: {  	v1 =	vld [tilespmem:s18+$0x70]  }
0x110: {  	v2 =	vld [tilespmem:s18+$0x470]  }
0x111: {  	v4 =	vld [tilespmem:s18+$0x870]  }
0x112: {  	v5 =	vld [tilespmem:s18+$0xC70]  }
0x113: {  	v3 =	vld [tilespmem:s18+$0x1070]  }
0x114: {  	v0 =	vld [tilespmem:s18+$0x1470]  }
.Ltmp5:
0x115: {  	v6 =	vadd.f32 v2, v1;
	v1 =	vld [tilespmem:s18+$0x1870];
	s18 =	sor.u32 $0x1C70, s19;
	(pc) =	sbr.rel @p0 .LBB2_4-.Ltmp5, $3  }
0x116: {  	v2 =	vld [tilespmem:s18+$0x0]  }
0x117: {  	v4 =	vadd.f32 v4, v6;
	_ =	sdelay $0x1  }
0x118: {  	v4 =	vadd.f32 v5, v4  }
0x119: {  	_ = 	snop  }
0x11a: {  	v3 =	vadd.f32 v3, v4;
	_ =	sdelay $0x1  }
0x11b: {  	v0 =	vadd.f32 v0, v3;
	_ =	sdelay $0x1  }
0x11c: {  	v0 =	vadd.f32 v1, v0;
	_ =	sdelay $0x1  }
0x11d: {  	s12 =	smul.u32 $0x500, s12;
	v0 =	vadd.f32 v2, v0;
	_ =	sdelay $0x1  }
.Ltmp6:
0x11e: {  	s12 =	sadd.s32 s4, s12;
	[tilespmem:s15+$0x30] =	vst v0;
	(pc) =	sbr.rel .LBB2_6-.Ltmp6, $4  }
0x11f: {  	[hbm4b:s12+s1] =	stream.linear.scatter [tilespmem:s8], [sflag:$0x1], $0x2800, $0x38;
	[tilespmem:$0x16800] =	vst v63  }
0x120: {  	_ =	swait.ge [sflag:s9], $0x2800  }
0x121: {  	[sflag:s9] =	ssyncset.done $0x0  }
0x122: {  	[sflag:s9] =	ssyncadd.s32 $0xFFFFD800  }
.LBB2_8:
0x123: {  	_ =	sfence.sel $0x180000  }
0x124: {  	[bflag:$0x0] =	sbarrier.arrive $0xFFFF  }
0x125: {  	p0 =	sne.s32 s2, $0x0;
	_ =	strace $0x90000047  }
0x126: {  	s0 =	sadd.s32 @!p0 $0x100000, s0;
	[bflag:$0x2] =	sbarrier.arrive $0xFFFF  }
0x127: {  	[sflag:s0] =	ssyncadd.tile.s32 @!p0 $0x1;
	_ =	shalt  }
.Lfunc_end2:
_tile_overlayer_lowered:
.L_overlay_start_2:
0x128: {  	(tag) =	ssettag $0x2  }
0x129: {  	s0 =	rddreg [dreg:$0x0];
	s2 =	stileid.u32  }
0x12a: {  	s1 =	rddreg [dreg:$0x1];
	p0 =	sne.s32 s2, $0x0  }
0x12b: {  	s3 =	rddreg [dreg:$0x2];
	[bflag:$0x3] =	sbarrier.arrive $0xFFFF;
	s2 =	simm.s32 @!p0 $0x1C01  }
0x12c: {  	[timem:s3], [sflag:s2] =	dma.local @!p0 [hbm:s0], s1  }
0x12d: {  	s0 =	simm.s32 @!p0 $0x1  }
0x12e: {  	_ =	swait.ge @!p0 [sflag:s0], s1  }
0x12f: {  	s1 =	ssub.s32 @!p0 $0x0, s1;
	[sflag:s0] =	ssyncset.done @!p0 $0x0  }
0x130: {  	[sflag:s0] =	ssyncadd.s32 @!p0 s1  }
0x131: {  	[bflag:$0x3] =	sbarrier.arrive $0xFFFF  }
0x132: {  	_ =	shalt  }

</sc_bundles>
